<compile_context>
chip_gen: v7x
topology: tpu7x:2x2x1
jax: 0.10.2.dev20260603
libtpu: 0.0.44.dev20260713+nightly
codegen_flags: <defaults>
</compile_context>

<pallas_src>
import jax
import jax.numpy as jnp
from jax import lax
from jax.experimental import pallas as pl
from jax.experimental.pallas import tpu as pltpu
from jax.experimental.pallas import tpu_sc as plsc

B, L, F, R = 32, 256, 128, 32
FR = F * R
LANES = 16
NC, NS = 2, 16
NW = NC * NS

BT = 28
NSC = B - BT
K = NW // NSC
LW = L // K
CL = 8
NCHUNK = LW // CL
TBB = 4
CLT = L


def _sc_body(x_hbm, w1_hbm, w2_hbm, a1_hbm, a2_hbm,
             buf, wv1, wv2, acc1, acc2, sem0, sem1):
    wid = lax.axis_index("s") * NC + lax.axis_index("c")
    b = BT + wid // K
    lw0 = (wid % K) * LW

    pltpu.sync_copy(w1_hbm.at[b >> 3, :, b & 7], wv1)
    pltpu.sync_copy(w2_hbm.at[b >> 3, :, b & 7], wv2)

    zero = jnp.zeros((LANES,), jnp.float32)

    @plsc.parallel_loop(0, R * 8, step=1, unroll=4)
    def _zero_body(i):
        q = i >> 3
        c = (i & 7) * LANES
        acc1[q, pl.ds(c, LANES)] = zero
        acc2[q, pl.ds(c, LANES)] = zero

    sems = (sem0, sem1)

    def _chunk_copy(g, d):
        return pltpu.make_async_copy(
            x_hbm.at[b, pl.ds(lw0 + g * CL, CL)], buf.at[d], sems[d])

    _chunk_copy(0, 0).start()

    def _compute(d, w1s, w2s):
        @plsc.parallel_loop(0, R * 8, step=1, unroll=4)
        def _vbody(v):
            q = v >> 3
            c = (v & 7) * LANES
            xs = [buf[d, li, q, pl.ds(c, LANES)] for li in range(CL)]
            s1 = ((xs[0] * w1s[0] + xs[1] * w1s[1])
                  + (xs[2] * w1s[2] + xs[3] * w1s[3]))
            t1 = ((xs[4] * w1s[4] + xs[5] * w1s[5])
                  + (xs[6] * w1s[6] + xs[7] * w1s[7]))
            s2 = ((xs[0] * w2s[0] + xs[1] * w2s[1])
                  + (xs[2] * w2s[2] + xs[3] * w2s[3]))
            t2 = ((xs[4] * w2s[4] + xs[5] * w2s[5])
                  + (xs[6] * w2s[6] + xs[7] * w2s[7]))
            acc1[q, pl.ds(c, LANES)] = acc1[q, pl.ds(c, LANES)] + (s1 + t1)
            acc2[q, pl.ds(c, LANES)] = acc2[q, pl.ds(c, LANES)] + (s2 + t2)

    def _pair(gg, _):
        off = lw0 + gg * 2 * CL
        w1v = wv1[off >> 7, pl.ds(off & 127, LANES)]
        w2v = wv2[off >> 7, pl.ds(off & 127, LANES)]
        for d in range(2):
            g = gg * 2 + d
            w1s = [jnp.broadcast_to(w1v[d * CL + li], (LANES,))
                   for li in range(CL)]
            w2s = [jnp.broadcast_to(w2v[d * CL + li], (LANES,))
                   for li in range(CL)]

            @pl.when(g + 1 < NCHUNK)
            def _start_next():
                _chunk_copy(g + 1, 1 - d).start()

            _chunk_copy(g, d).wait()
            _compute(d, w1s, w2s)
        return 0

    lax.fori_loop(0, NCHUNK // 2, _pair, 0)

    out_row = wid * R
    pltpu.sync_copy(acc1, a1_hbm.at[pl.ds(out_row, R)])
    pltpu.sync_copy(acc2, a2_hbm.at[pl.ds(out_row, R)])


@jax.jit
def _sc_reduce(x4, w1, w2):
    mesh = plsc.VectorSubcoreMesh(core_axis_name="c", subcore_axis_name="s",
                                  num_cores=NC, num_subcores=NS)
    return pl.kernel(
        _sc_body,
        out_type=(jax.ShapeDtypeStruct((NW * R, 128), jnp.float32),
                  jax.ShapeDtypeStruct((NW * R, 128), jnp.float32)),
        mesh=mesh,
        scratch_types=(
            pltpu.VMEM((2, CL, R, 128), jnp.float32),
            pltpu.VMEM((2, 128), jnp.float32),
            pltpu.VMEM((2, 128), jnp.float32),
            pltpu.VMEM((R, 128), jnp.float32),
            pltpu.VMEM((R, 128), jnp.float32),
            pltpu.SemaphoreType.DMA,
            pltpu.SemaphoreType.DMA,
        ),
        name="cons_net_sc_reduce",
    )(x4, w1, w2)


def _tcr_body(w1s, w2s, x, cl, cr, rf, rr, out):
    b0 = pl.program_id(0) * TBB

    zero = jnp.zeros((R, F), jnp.float32)

    def _lbody(l, accs):
        new = []
        for j in range(TBB):
            xl = x[j, l]
            new.append(accs[2 * j] + w1s[b0 + j, l] * xl)
            new.append(accs[2 * j + 1] + w2s[b0 + j, l] * xl)
        return tuple(new)

    accs = lax.fori_loop(0, CLT, _lbody, (zero,) * (2 * TBB), unroll=4)

    clv = cl[...]
    crv = cr[...]
    rrv = rr[...]
    for j in range(TBB):
        o = jnp.dot(clv, accs[2 * j], preferred_element_type=jnp.float32)
        o = o + jnp.dot(crv, accs[2 * j + 1],
                        preferred_element_type=jnp.float32)
        out[j] = o + rrv * rf[pl.ds(b0 + j, 1), :]


@jax.jit
def _tc_reduce(x4, w1, w2, cl, cr, rf, rr):
    smem_full = pl.BlockSpec((B, L), lambda i: (0, 0),
                             memory_space=pltpu.SMEM)
    full = lambda shape: pl.BlockSpec(shape, lambda i: (0,) * len(shape))
    return pl.pallas_call(
        _tcr_body,
        grid=(BT // TBB,),
        in_specs=[smem_full, smem_full,
                  pl.BlockSpec((TBB, CLT, R, F), lambda i: (i, 0, 0, 0)),
                  full((R, R)), full((R, R)), full((B, F)), full((R, 1))],
        out_specs=pl.BlockSpec((TBB, R, F), lambda i: (i, 0, 0)),
        out_shape=jax.ShapeDtypeStruct((BT, R, F), jnp.float32),
        name="cons_net_tc_reduce",
    )(w1, w2, x4, cl, cr, rf, rr)


def _epi_body(otc, a1p, a2p, cl, cr, rf, rr, w1, w2, out, m1, m2):
    out[pl.ds(0, BT * R), :] = otc[...]
    clv = cl[...]
    crv = cr[...]
    rrv = rr[...]

    def _bs(b, _):
        base = b * K * R
        p1 = a1p[pl.ds(base, R), :]
        p2 = a2p[pl.ds(base, R), :]
        for j in range(1, K):
            p1 = p1 + a1p[pl.ds(base + j * R, R), :]
            p2 = p2 + a2p[pl.ds(base + j * R, R), :]
        o = jnp.dot(clv, p1, preferred_element_type=jnp.float32)
        o = o + jnp.dot(crv, p2, preferred_element_type=jnp.float32)
        out[pl.ds(BT * R + b * R, R), :] = o + rrv * rf[pl.ds(BT + b, 1), :]
        return 0

    lax.fori_loop(0, NSC, _bs, 0)
    m1[...] = jnp.max(w1[...], axis=1)
    m2[...] = jnp.max(w2[...], axis=1)


@jax.jit
def _sc_epilogue(otc, a1p, a2p, cl, cr, rf, rr, w1, w2):
    return pl.pallas_call(
        _epi_body,
        out_shape=(jax.ShapeDtypeStruct((B * R, F), jnp.float32),
                   jax.ShapeDtypeStruct((B,), jnp.float32),
                   jax.ShapeDtypeStruct((B,), jnp.float32)),
        name="cons_net_sc_epilogue",
    )(otc, a1p, a2p, cl, cr, rf, rr, w1, w2)


def kernel(x, arg1_weight, arg2_weight, root_filler, cons_l, cons_r, root_role):
    x4 = x.transpose(0, 1, 3, 2)
    w1_4d = arg1_weight.reshape(4, 8, 2, 128).transpose(0, 2, 1, 3)
    w2_4d = arg2_weight.reshape(4, 8, 2, 128).transpose(0, 2, 1, 3)
    rr = root_role.reshape(R, 1)

    a1p, a2p = _sc_reduce(x4, w1_4d, w2_4d)
    out_tc = _tc_reduce(x4, arg1_weight, arg2_weight, cons_l, cons_r,
                        root_filler, rr)
    out, m1, m2 = _sc_epilogue(out_tc.reshape(BT * R, F), a1p, a2p,
                               cons_l, cons_r, root_filler, rr,
                               arg1_weight, arg2_weight)
    return out.reshape(B, R, F).transpose(0, 2, 1), m1, m2

# --- scband reference (transcript-rebuilt; emitter-appended) ---
"""Pipeline reference for scband-cons-net-58669253263513 (READ-ONLY COPY).

The authoritative reference and input builder live on the scoring server;
editing this copy changes nothing except your own understanding.
"""

import jax, jax.numpy as jnp
import numpy as np

B, L, F, R = 32, 256, 128, 32

def setup_inputs(seed: int = 0) -> dict:
    key = jax.random.key(seed)
    ks = jax.random.split(key, 7)
    x = jax.random.normal(ks[0], (B, L, F, R), dtype=jnp.float32)
    arg1_weight = jax.random.uniform(ks[1], (B, L), dtype=jnp.float32)
    arg2_weight = jax.random.uniform(ks[2], (B, L), dtype=jnp.float32)
    root_filler = jax.random.normal(ks[3], (B, F), dtype=jnp.float32)
    cons_l = jax.random.normal(ks[4], (R, R), dtype=jnp.float32) / np.sqrt(R)
    cons_r = jax.random.normal(ks[5], (R, R), dtype=jnp.float32) / np.sqrt(R)
    root_role = jax.random.normal(ks[6], (R,), dtype=jnp.float32)
    return {"x": x, "arg1_weight": arg1_weight, "arg2_weight": arg2_weight,
            "root_filler": root_filler, "cons_l": cons_l, "cons_r": cons_r,
            "root_role": root_role}

def reference(x, arg1_weight, arg2_weight, root_filler, cons_l, cons_r, root_role):
    # dense (sparse=False) path of ConsNet.forward with calculate_entropy=False
    arg1 = jnp.einsum('blfr,bl->bfr', x, arg1_weight)
    arg2 = jnp.einsum('blfr,bl->bfr', x, arg2_weight)
    # F.linear(arg1, cons_l) == arg1 @ cons_l.T applied to last dim (roles)
    output = (jnp.matmul(arg1, cons_l.T)
              + jnp.matmul(arg2, cons_r.T)
              + jnp.einsum('bf,r->bfr', root_filler, root_role))
    arg1_max = jnp.max(arg1_weight, axis=1)
    arg2_max = jnp.max(arg2_weight, axis=1)
    # original returns (output, None, None, arg1_max, arg2_max); Nones dropped here
    return (output, arg1_max, arg2_max)

if __name__ == "__main__":
    import jax
    _d = setup_inputs()
    print(jax.jit(kernel)(*tuple(_d.values())))

</pallas_src>

<mosaic_0001>
#map = affine_map<(d0, d1) -> (0, 0, 0, 0)>
#map1 = affine_map<(d0, d1) -> (0, 0)>
module attributes {stable_mosaic.version = 14 : i64} {
  func.func @cons_net_sc_reduce(%arg0: i32, %arg1: i32, %arg2: memref<32x256x32x128xf32, #tpu.memory_space<hbm>>, %arg3: memref<4x2x8x128xf32, #tpu.memory_space<hbm>>, %arg4: memref<4x2x8x128xf32, #tpu.memory_space<hbm>>, %arg5: memref<1024x128xf32, #tpu.memory_space<hbm>>, %arg6: memref<1024x128xf32, #tpu.memory_space<hbm>>, %arg7: memref<2x8x32x128xf32, #tpu.memory_space<vmem>>, %arg8: memref<2x128xf32, #tpu.memory_space<vmem>>, %arg9: memref<2x128xf32, #tpu.memory_space<vmem>>, %arg10: memref<32x128xf32, #tpu.memory_space<vmem>>, %arg11: memref<32x128xf32, #tpu.memory_space<vmem>>, %arg12: memref<!tpu.dma_semaphore, #tpu.memory_space<semaphore_mem>>, %arg13: memref<!tpu.dma_semaphore, #tpu.memory_space<semaphore_mem>>) attributes {dimension_semantics = [#tpu.dimension_semantics<core_parallel>, #tpu.dimension_semantics<subcore_parallel>], iteration_bounds = array<i64: 2, 16>, scalar_prefetch = 0 : i64, scratch_operands = 7 : i64, tpu.core_type = #tpu.core_type<sc_vector_subcore>, window_params = [{transform_indices = #map}, {transform_indices = #map}, {transform_indices = #map}, {transform_indices = #map1}, {transform_indices = #map1}]} {
    %mul3A = arith.constant 2 : i32
    %mul3A_0 = arith.muli %arg1, %mul3A : i32
    %add3A = arith.addi %mul3A_0, %arg0 : i32
    %jit3A = arith.constant 8 : i32
    %div3A = arith.divsi %add3A, %jit3A : i32
    %sign3A = arith.constant 0 : i32
    %sign3A_1 = arith.cmpi sgt, %add3A, %sign3A : i32
    %sign3A_2 = arith.extui %sign3A_1 : i1 to i32
    %sign3A_3 = arith.constant 0 : i32
    %sign3A_4 = arith.cmpi slt, %add3A, %sign3A_3 : i32
    %sign3A_5 = arith.extui %sign3A_4 : i1 to i32
    %sign3A_6 = arith.subi %sign3A_2, %sign3A_5 : i32
    %sign3A_7 = arith.constant 0 : i32
    %sign3A_8 = arith.cmpi sgt, %jit3A, %sign3A_7 : i32
    %sign3A_9 = arith.extui %sign3A_8 : i1 to i32
    %sign3A_10 = arith.constant 0 : i32
    %sign3A_11 = arith.cmpi slt, %jit3A, %sign3A_10 : i32
    %sign3A_12 = arith.extui %sign3A_11 : i1 to i32
    %sign3A_13 = arith.subi %sign3A_9, %sign3A_12 : i32
    %ne3A = arith.cmpi ne, %sign3A_6, %sign3A_13 : i32
    %rem3A = arith.remsi %add3A, %jit3A : i32
    %ne3A_14 = arith.constant 0 : i32
    %ne3A_15 = arith.cmpi ne, %rem3A, %ne3A_14 : i32
    %and3A = arith.andi %ne3A, %ne3A_15 : i1
    %sub3A = arith.constant 1 : i32
    %sub3A_16 = arith.subi %div3A, %sub3A : i32
    %select_n3A = arith.select %and3A, %sub3A_16, %div3A : i32
    %add3A_17 = arith.constant 28 : i32
    %add3A_18 = arith.addi %add3A_17, %select_n3A : i32
    %jit3A_19 = arith.constant 8 : i32
    %eq3A = arith.constant 0 : i32
    %eq3A_20 = arith.cmpi eq, %jit3A_19, %eq3A : i32
    %jit3A_21 = arith.constant 1 : i32
    %select_n3A_22 = arith.select %eq3A_20, %jit3A_21, %jit3A_19 : i32
    %rem3A_23 = arith.remsi %add3A, %select_n3A_22 : i32
    %ne3A_24 = arith.constant 0 : i32
    %ne3A_25 = arith.cmpi ne, %rem3A_23, %ne3A_24 : i32
    %lt3A = arith.constant 0 : i32
    %lt3A_26 = arith.cmpi slt, %rem3A_23, %lt3A : i32
    %lt3A_27 = arith.constant 0 : i32
    %lt3A_28 = arith.cmpi slt, %select_n3A_22, %lt3A_27 : i32
    %ne3A_29 = arith.xori %lt3A_26, %lt3A_28 : i1
    %and3A_30 = arith.andi %ne3A_29, %ne3A_25 : i1
    %add3A_31 = arith.addi %rem3A_23, %select_n3A_22 : i32
    %select_n3A_32 = arith.select %and3A_30, %add3A_31, %rem3A_23 : i32
    %mul3A_33 = arith.constant 32 : i32
    %mul3A_34 = arith.muli %select_n3A_32, %mul3A_33 : i32
    %shift_right_arithmetic3A = arith.constant 3 : i32
    %shift_right_arithmetic3A_35 = arith.shrsi %add3A_18, %shift_right_arithmetic3A : i32
    %and3A_36 = arith.constant 7 : i32
    %and3A_37 = arith.andi %add3A_18, %and3A_36 : i32
    "tpu.region"() ({
      %run_scoped3A = tpu.sem_alloc : memref<!tpu.dma_semaphore, #tpu.memory_space<semaphore_mem>>
      %dma_start3A_73 = arith.constant 0 : i32
      %dma_start3A_74 = arith.constant 0 : i32
      %dma_start3A_75 = tpu.memref_slice %arg3[%shift_right_arithmetic3A_35, %dma_start3A_73, %and3A_37, %dma_start3A_74] : memref<4x2x8x128xf32, #tpu.memory_space<hbm>> -> memref<1x2x1x128xf32, #tpu.memory_space<hbm>>
      %dma_start3A_76 = tpu.memref_squeeze %dma_start3A_75 : memref<1x2x1x128xf32, #tpu.memory_space<hbm>> -> memref<2x128xf32, #tpu.memory_space<hbm>>
      %dma_start3A_77 = arith.constant 0 : i32
      %dma_start3A_78 = arith.constant 0 : i32
      %dma_start3A_79 = tpu.memref_slice %arg3[%shift_right_arithmetic3A_35, %dma_start3A_77, %and3A_37, %dma_start3A_78] : memref<4x2x8x128xf32, #tpu.memory_space<hbm>> -> memref<1x2x1x128xf32, #tpu.memory_space<hbm>>
      %dma_start3A_80 = tpu.memref_squeeze %dma_start3A_79 : memref<1x2x1x128xf32, #tpu.memory_space<hbm>> -> memref<2x128xf32, #tpu.memory_space<hbm>>
      tpu.enqueue_dma source(%dma_start3A_80 : memref<2x128xf32, #tpu.memory_space<hbm>>) target(%arg8 : memref<2x128xf32, #tpu.memory_space<vmem>>) target_semaphore(%run_scoped3A : memref<!tpu.dma_semaphore, #tpu.memory_space<semaphore_mem>>)
      %dma_wait3A = arith.constant 0 : i32
      %dma_wait3A_81 = arith.constant 0 : i32
      %dma_wait3A_82 = tpu.memref_slice %arg3[%shift_right_arithmetic3A_35, %dma_wait3A, %and3A_37, %dma_wait3A_81] : memref<4x2x8x128xf32, #tpu.memory_space<hbm>> -> memref<1x2x1x128xf32, #tpu.memory_space<hbm>>
      %dma_wait3A_83 = tpu.memref_squeeze %dma_wait3A_82 : memref<1x2x1x128xf32, #tpu.memory_space<hbm>> -> memref<2x128xf32, #tpu.memory_space<hbm>>
      %dma_wait3A_84 = arith.constant 0 : i32
      %dma_wait3A_85 = arith.constant 0 : i32
      %dma_wait3A_86 = tpu.memref_slice %arg3[%shift_right_arithmetic3A_35, %dma_wait3A_84, %and3A_37, %dma_wait3A_85] : memref<4x2x8x128xf32, #tpu.memory_space<hbm>> -> memref<1x2x1x128xf32, #tpu.memory_space<hbm>>
      %dma_wait3A_87 = tpu.memref_squeeze %dma_wait3A_86 : memref<1x2x1x128xf32, #tpu.memory_space<hbm>> -> memref<2x128xf32, #tpu.memory_space<hbm>>
      tpu.wait_dma2 semaphore(%run_scoped3A : memref<!tpu.dma_semaphore, #tpu.memory_space<semaphore_mem>>) src(%dma_wait3A_87 : memref<2x128xf32, #tpu.memory_space<hbm>>) dst(%arg8 : memref<2x128xf32, #tpu.memory_space<vmem>>)
      tpu.yield
    }) : () -> ()
    %shift_right_arithmetic3A_38 = arith.constant 3 : i32
    %shift_right_arithmetic3A_39 = arith.shrsi %add3A_18, %shift_right_arithmetic3A_38 : i32
    %and3A_40 = arith.constant 7 : i32
    %and3A_41 = arith.andi %add3A_18, %and3A_40 : i32
    "tpu.region"() ({
      %run_scoped3A = tpu.sem_alloc : memref<!tpu.dma_semaphore, #tpu.memory_space<semaphore_mem>>
      %dma_start3A_73 = arith.constant 0 : i32
      %dma_start3A_74 = arith.constant 0 : i32
      %dma_start3A_75 = tpu.memref_slice %arg4[%shift_right_arithmetic3A_39, %dma_start3A_73, %and3A_41, %dma_start3A_74] : memref<4x2x8x128xf32, #tpu.memory_space<hbm>> -> memref<1x2x1x128xf32, #tpu.memory_space<hbm>>
      %dma_start3A_76 = tpu.memref_squeeze %dma_start3A_75 : memref<1x2x1x128xf32, #tpu.memory_space<hbm>> -> memref<2x128xf32, #tpu.memory_space<hbm>>
      %dma_start3A_77 = arith.constant 0 : i32
      %dma_start3A_78 = arith.constant 0 : i32
      %dma_start3A_79 = tpu.memref_slice %arg4[%shift_right_arithmetic3A_39, %dma_start3A_77, %and3A_41, %dma_start3A_78] : memref<4x2x8x128xf32, #tpu.memory_space<hbm>> -> memref<1x2x1x128xf32, #tpu.memory_space<hbm>>
      %dma_start3A_80 = tpu.memref_squeeze %dma_start3A_79 : memref<1x2x1x128xf32, #tpu.memory_space<hbm>> -> memref<2x128xf32, #tpu.memory_space<hbm>>
      tpu.enqueue_dma source(%dma_start3A_80 : memref<2x128xf32, #tpu.memory_space<hbm>>) target(%arg9 : memref<2x128xf32, #tpu.memory_space<vmem>>) target_semaphore(%run_scoped3A : memref<!tpu.dma_semaphore, #tpu.memory_space<semaphore_mem>>)
      %dma_wait3A = arith.constant 0 : i32
      %dma_wait3A_81 = arith.constant 0 : i32
      %dma_wait3A_82 = tpu.memref_slice %arg4[%shift_right_arithmetic3A_39, %dma_wait3A, %and3A_41, %dma_wait3A_81] : memref<4x2x8x128xf32, #tpu.memory_space<hbm>> -> memref<1x2x1x128xf32, #tpu.memory_space<hbm>>
      %dma_wait3A_83 = tpu.memref_squeeze %dma_wait3A_82 : memref<1x2x1x128xf32, #tpu.memory_space<hbm>> -> memref<2x128xf32, #tpu.memory_space<hbm>>
      %dma_wait3A_84 = arith.constant 0 : i32
      %dma_wait3A_85 = arith.constant 0 : i32
      %dma_wait3A_86 = tpu.memref_slice %arg4[%shift_right_arithmetic3A_39, %dma_wait3A_84, %and3A_41, %dma_wait3A_85] : memref<4x2x8x128xf32, #tpu.memory_space<hbm>> -> memref<1x2x1x128xf32, #tpu.memory_space<hbm>>
      %dma_wait3A_87 = tpu.memref_squeeze %dma_wait3A_86 : memref<1x2x1x128xf32, #tpu.memory_space<hbm>> -> memref<2x128xf32, #tpu.memory_space<hbm>>
      tpu.wait_dma2 semaphore(%run_scoped3A : memref<!tpu.dma_semaphore, #tpu.memory_space<semaphore_mem>>) src(%dma_wait3A_87 : memref<2x128xf32, #tpu.memory_space<hbm>>) dst(%arg9 : memref<2x128xf32, #tpu.memory_space<vmem>>)
      tpu.yield
    }) : () -> ()
    %broadcast_in_dim3A = arith.constant 0.000000e+00 : f32
    %broadcast_in_dim3A_42 = vector.broadcast %broadcast_in_dim3A : f32 to vector<16xf32>
    %parallel_loop3A = arith.constant 0 : i32
    %parallel_loop3A_43 = arith.constant 256 : i32
    %parallel_loop3A_44 = arith.constant 1 : i32
    scf.for %parallel_loop3A_73 = %parallel_loop3A to %parallel_loop3A_43 step %parallel_loop3A_44  : i32 {
      %parallel_loop3A_74 = arith.constant 3 : i32
      %parallel_loop3A_75 = arith.shrsi %parallel_loop3A_73, %parallel_loop3A_74 : i32
      %parallel_loop3A_76 = arith.constant 7 : i32
      %parallel_loop3A_77 = arith.andi %parallel_loop3A_73, %parallel_loop3A_76 : i32
      %parallel_loop3A_78 = arith.constant 16 : i32
      %parallel_loop3A_79 = arith.muli %parallel_loop3A_77, %parallel_loop3A_78 : i32
      %parallel_loop3A_80 = arith.index_cast %parallel_loop3A_75 : i32 to index
      %parallel_loop3A_81 = arith.index_cast %parallel_loop3A_79 : i32 to index
      %parallel_loop3A_82 = tpu.vector_load %arg10[%parallel_loop3A_80, %parallel_loop3A_81] {strides = array<i32>} : memref<32x128xf32, #tpu.memory_space<vmem>>, vector<1x16xf32>,
      %parallel_loop3A_83 = vector.shape_cast %parallel_loop3A_82 : vector<1x16xf32> to vector<16xf32>
      %parallel_loop3A_84 = vector.shape_cast %broadcast_in_dim3A_42 : vector<16xf32> to vector<1x16xf32>
      tpu.vector_store %arg10[%parallel_loop3A_80, %parallel_loop3A_81], %parallel_loop3A_84 {strides = array<i32>} : memref<32x128xf32, #tpu.memory_space<vmem>>, vector<1x16xf32>,
      %parallel_loop3A_85 = arith.index_cast %parallel_loop3A_75 : i32 to index
      %parallel_loop3A_86 = arith.index_cast %parallel_loop3A_79 : i32 to index
      %parallel_loop3A_87 = tpu.vector_load %arg11[%parallel_loop3A_85, %parallel_loop3A_86] {strides = array<i32>} : memref<32x128xf32, #tpu.memory_space<vmem>>, vector<1x16xf32>,
      %parallel_loop3A_88 = vector.shape_cast %parallel_loop3A_87 : vector<1x16xf32> to vector<16xf32>
      %parallel_loop3A_89 = vector.shape_cast %broadcast_in_dim3A_42 : vector<16xf32> to vector<1x16xf32>
      tpu.vector_store %arg11[%parallel_loop3A_85, %parallel_loop3A_86], %parallel_loop3A_89 {strides = array<i32>} : memref<32x128xf32, #tpu.memory_space<vmem>>, vector<1x16xf32>,
    } {sc.loop_unroll_factor = 4 : i64, sc.parallel_access}
    %add3A_45 = arith.constant 0 : i32
    %add3A_46 = arith.addi %mul3A_34, %add3A_45 : i32
    %dma_start3A = arith.constant 0 : i32
    %dma_start3A_47 = arith.constant 0 : i32
    %dma_start3A_48 = arith.constant 0 : i32
    %dma_start3A_49 = arith.constant 0 : i32
    %dma_start3A_50 = tpu.memref_slice %arg7[%dma_start3A, %dma_start3A_47, %dma_start3A_48, %dma_start3A_49] : memref<2x8x32x128xf32, #tpu.memory_space<vmem>> -> memref<1x8x32x128xf32, #tpu.memory_space<vmem>>
    %dma_start3A_51 = tpu.memref_squeeze %dma_start3A_50 : memref<1x8x32x128xf32, #tpu.memory_space<vmem>> -> memref<8x32x128xf32, #tpu.memory_space<vmem>>
    %dma_start3A_52 = arith.constant 0 : i32
    %dma_start3A_53 = arith.constant 0 : i32
    %dma_start3A_54 = tpu.memref_slice %arg2[%add3A_18, %add3A_46, %dma_start3A_52, %dma_start3A_53] : memref<32x256x32x128xf32, #tpu.memory_space<hbm>> -> memref<1x8x32x128xf32, #tpu.memory_space<hbm>>
    %dma_start3A_55 = tpu.memref_squeeze %dma_start3A_54 : memref<1x8x32x128xf32, #tpu.memory_space<hbm>> -> memref<8x32x128xf32, #tpu.memory_space<hbm>>
    %dma_start3A_56 = arith.constant 0 : i32
    %dma_start3A_57 = arith.constant 0 : i32
    %dma_start3A_58 = arith.constant 0 : i32
    %dma_start3A_59 = tpu.memref_slice %arg7[%dma_start3A, %dma_start3A_56, %dma_start3A_57, %dma_start3A_58] : memref<2x8x32x128xf32, #tpu.memory_space<vmem>> -> memref<1x8x32x128xf32, #tpu.memory_space<vmem>>
    %dma_start3A_60 = tpu.memref_squeeze %dma_start3A_59 : memref<1x8x32x128xf32, #tpu.memory_space<vmem>> -> memref<8x32x128xf32, #tpu.memory_space<vmem>>
    %dma_start3A_61 = arith.constant 0 : i32
    %dma_start3A_62 = arith.constant 0 : i32
    %dma_start3A_63 = tpu.memref_slice %arg2[%add3A_18, %add3A_46, %dma_start3A_61, %dma_start3A_62] : memref<32x256x32x128xf32, #tpu.memory_space<hbm>> -> memref<1x8x32x128xf32, #tpu.memory_space<hbm>>
    %dma_start3A_64 = tpu.memref_squeeze %dma_start3A_63 : memref<1x8x32x128xf32, #tpu.memory_space<hbm>> -> memref<8x32x128xf32, #tpu.memory_space<hbm>>
    tpu.enqueue_dma source(%dma_start3A_64 : memref<8x32x128xf32, #tpu.memory_space<hbm>>) target(%dma_start3A_60 : memref<8x32x128xf32, #tpu.memory_space<vmem>>) target_semaphore(%arg12 : memref<!tpu.dma_semaphore, #tpu.memory_space<semaphore_mem>>)
    %scan3A = arith.constant 0 : i32
    %scan3A_65 = arith.constant 0 : i32
    %scan3A_66 = arith.constant 2 : i32
    %scan3A_67 = arith.addi %scan3A_65, %scan3A_66 : i32
    %scan3A_68 = arith.constant 1 : i32
    %scan3A_69 = scf.for %scan3A_73 = %scan3A_65 to %scan3A_67 step %scan3A_68 iter_args(%scan3A_74 = %scan3A) -> (i32)  : i32 {
      %mul3A_75 = arith.constant 2 : i32
      %mul3A_76 = arith.muli %scan3A_73, %mul3A_75 : i32
      %mul3A_77 = arith.constant 8 : i32
      %mul3A_78 = arith.muli %mul3A_76, %mul3A_77 : i32
      %add3A_79 = arith.addi %mul3A_34, %mul3A_78 : i32
      %shift_right_arithmetic3A_80 = arith.constant 7 : i32
      %shift_right_arithmetic3A_81 = arith.shrsi %add3A_79, %shift_right_arithmetic3A_80 : i32
      %and3A_82 = arith.constant 127 : i32
      %and3A_83 = arith.andi %add3A_79, %and3A_82 : i32
      %get3A = arith.index_cast %shift_right_arithmetic3A_81 : i32 to index
      %get3A_84 = arith.index_cast %and3A_83 : i32 to index
      %get3A_85 = tpu.vector_load %arg8[%get3A, %get3A_84] {strides = array<i32>} : memref<2x128xf32, #tpu.memory_space<vmem>>, vector<1x16xf32>,
      %get3A_86 = vector.shape_cast %get3A_85 : vector<1x16xf32> to vector<16xf32>
      %shift_right_arithmetic3A_87 = arith.constant 7 : i32
      %shift_right_arithmetic3A_88 = arith.shrsi %add3A_79, %shift_right_arithmetic3A_87 : i32
      %and3A_89 = arith.constant 127 : i32
      %and3A_90 = arith.andi %add3A_79, %and3A_89 : i32
      %get3A_91 = arith.index_cast %shift_right_arithmetic3A_88 : i32 to index
      %get3A_92 = arith.index_cast %and3A_90 : i32 to index
      %get3A_93 = tpu.vector_load %arg9[%get3A_91, %get3A_92] {strides = array<i32>} : memref<2x128xf32, #tpu.memory_space<vmem>>, vector<1x16xf32>,
      %get3A_94 = vector.shape_cast %get3A_93 : vector<1x16xf32> to vector<16xf32>
      %mul3A_95 = arith.constant 2 : i32
      %mul3A_96 = arith.muli %scan3A_73, %mul3A_95 : i32
      %add3A_97 = arith.constant 0 : i32
      %add3A_98 = arith.addi %mul3A_96, %add3A_97 : i32
      %slice3A = vector.extract_strided_slice %get3A_86 {offsets = [0], sizes = [1], strides = [1]} : vector<16xf32> to vector<1xf32>
      %squeeze3A = vector.extract %slice3A[0] : f32 from vector<1xf32>
      %broadcast_in_dim3A_99 = vector.broadcast %squeeze3A : f32 to vector<16xf32>
      %slice3A_100 = vector.extract_strided_slice %get3A_86 {offsets = [1], sizes = [1], strides = [1]} : vector<16xf32> to vector<1xf32>
      %squeeze3A_101 = vector.extract %slice3A_100[0] : f32 from vector<1xf32>
      %broadcast_in_dim3A_102 = vector.broadcast %squeeze3A_101 : f32 to vector<16xf32>
      %slice3A_103 = vector.extract_strided_slice %get3A_86 {offsets = [2], sizes = [1], strides = [1]} : vector<16xf32> to vector<1xf32>
      %squeeze3A_104 = vector.extract %slice3A_103[0] : f32 from vector<1xf32>
      %broadcast_in_dim3A_105 = vector.broadcast %squeeze3A_104 : f32 to vector<16xf32>
      %slice3A_106 = vector.extract_strided_slice %get3A_86 {offsets = [3], sizes = [1], strides = [1]} : vector<16xf32> to vector<1xf32>
      %squeeze3A_107 = vector.extract %slice3A_106[0] : f32 from vector<1xf32>
      %broadcast_in_dim3A_108 = vector.broadcast %squeeze3A_107 : f32 to vector<16xf32>
      %slice3A_109 = vector.extract_strided_slice %get3A_86 {offsets = [4], sizes = [1], strides = [1]} : vector<16xf32> to vector<1xf32>
      %squeeze3A_110 = vector.extract %slice3A_109[0] : f32 from vector<1xf32>
      %broadcast_in_dim3A_111 = vector.broadcast %squeeze3A_110 : f32 to vector<16xf32>
      %slice3A_112 = vector.extract_strided_slice %get3A_86 {offsets = [5], sizes = [1], strides = [1]} : vector<16xf32> to vector<1xf32>
      %squeeze3A_113 = vector.extract %slice3A_112[0] : f32 from vector<1xf32>
      %broadcast_in_dim3A_114 = vector.broadcast %squeeze3A_113 : f32 to vector<16xf32>
      %slice3A_115 = vector.extract_strided_slice %get3A_86 {offsets = [6], sizes = [1], strides = [1]} : vector<16xf32> to vector<1xf32>
      %squeeze3A_116 = vector.extract %slice3A_115[0] : f32 from vector<1xf32>
      %broadcast_in_dim3A_117 = vector.broadcast %squeeze3A_116 : f32 to vector<16xf32>
      %slice3A_118 = vector.extract_strided_slice %get3A_86 {offsets = [7], sizes = [1], strides = [1]} : vector<16xf32> to vector<1xf32>
      %squeeze3A_119 = vector.extract %slice3A_118[0] : f32 from vector<1xf32>
      %broadcast_in_dim3A_120 = vector.broadcast %squeeze3A_119 : f32 to vector<16xf32>
      %slice3A_121 = vector.extract_strided_slice %get3A_94 {offsets = [0], sizes = [1], strides = [1]} : vector<16xf32> to vector<1xf32>
      %squeeze3A_122 = vector.extract %slice3A_121[0] : f32 from vector<1xf32>
      %broadcast_in_dim3A_123 = vector.broadcast %squeeze3A_122 : f32 to vector<16xf32>
      %slice3A_124 = vector.extract_strided_slice %get3A_94 {offsets = [1], sizes = [1], strides = [1]} : vector<16xf32> to vector<1xf32>
      %squeeze3A_125 = vector.extract %slice3A_124[0] : f32 from vector<1xf32>
      %broadcast_in_dim3A_126 = vector.broadcast %squeeze3A_125 : f32 to vector<16xf32>
      %slice3A_127 = vector.extract_strided_slice %get3A_94 {offsets = [2], sizes = [1], strides = [1]} : vector<16xf32> to vector<1xf32>
      %squeeze3A_128 = vector.extract %slice3A_127[0] : f32 from vector<1xf32>
      %broadcast_in_dim3A_129 = vector.broadcast %squeeze3A_128 : f32 to vector<16xf32>
      %slice3A_130 = vector.extract_strided_slice %get3A_94 {offsets = [3], sizes = [1], strides = [1]} : vector<16xf32> to vector<1xf32>
      %squeeze3A_131 = vector.extract %slice3A_130[0] : f32 from vector<1xf32>
      %broadcast_in_dim3A_132 = vector.broadcast %squeeze3A_131 : f32 to vector<16xf32>
      %slice3A_133 = vector.extract_strided_slice %get3A_94 {offsets = [4], sizes = [1], strides = [1]} : vector<16xf32> to vector<1xf32>
      %squeeze3A_134 = vector.extract %slice3A_133[0] : f32 from vector<1xf32>
      %broadcast_in_dim3A_135 = vector.broadcast %squeeze3A_134 : f32 to vector<16xf32>
      %slice3A_136 = vector.extract_strided_slice %get3A_94 {offsets = [5], sizes = [1], strides = [1]} : vector<16xf32> to vector<1xf32>
      %squeeze3A_137 = vector.extract %slice3A_136[0] : f32 from vector<1xf32>
      %broadcast_in_dim3A_138 = vector.broadcast %squeeze3A_137 : f32 to vector<16xf32>
      %slice3A_139 = vector.extract_strided_slice %get3A_94 {offsets = [6], sizes = [1], strides = [1]} : vector<16xf32> to vector<1xf32>
      %squeeze3A_140 = vector.extract %slice3A_139[0] : f32 from vector<1xf32>
      %broadcast_in_dim3A_141 = vector.broadcast %squeeze3A_140 : f32 to vector<16xf32>
      %slice3A_142 = vector.extract_strided_slice %get3A_94 {offsets = [7], sizes = [1], strides = [1]} : vector<16xf32> to vector<1xf32>
      %squeeze3A_143 = vector.extract %slice3A_142[0] : f32 from vector<1xf32>
      %broadcast_in_dim3A_144 = vector.broadcast %squeeze3A_143 : f32 to vector<16xf32>
      %add3A_145 = arith.constant 1 : i32
      %add3A_146 = arith.addi %add3A_98, %add3A_145 : i32
      %lt3A_147 = arith.constant 4 : i32
      %lt3A_148 = arith.cmpi slt, %add3A_146, %lt3A_147 : i32
      %convert_element_type3A = arith.extui %lt3A_148 : i1 to i32
      %cond3A = arith.constant 0 : i32
      %cond3A_149 = arith.cmpi ne, %convert_element_type3A, %cond3A : i32
      scf.if %cond3A_149 {
        %add3A_259 = arith.constant 1 : i32
        %add3A_260 = arith.addi %add3A_98, %add3A_259 : i32
        %mul3A_261 = arith.constant 8 : i32
        %mul3A_262 = arith.muli %add3A_260, %mul3A_261 : i32
        %add3A_263 = arith.addi %mul3A_34, %mul3A_262 : i32
        %dma_start3A_264 = arith.constant 1 : i32
        %dma_start3A_265 = arith.constant 0 : i32
        %dma_start3A_266 = arith.constant 0 : i32
        %dma_start3A_267 = arith.constant 0 : i32
        %dma_start3A_268 = tpu.memref_slice %arg7[%dma_start3A_264, %dma_start3A_265, %dma_start3A_266, %dma_start3A_267] : memref<2x8x32x128xf32, #tpu.memory_space<vmem>> -> memref<1x8x32x128xf32, #tpu.memory_space<vmem>>
        %dma_start3A_269 = tpu.memref_squeeze %dma_start3A_268 : memref<1x8x32x128xf32, #tpu.memory_space<vmem>> -> memref<8x32x128xf32, #tpu.memory_space<vmem>>
        %dma_start3A_270 = arith.constant 0 : i32
        %dma_start3A_271 = arith.constant 0 : i32
        %dma_start3A_272 = tpu.memref_slice %arg2[%add3A_18, %add3A_263, %dma_start3A_270, %dma_start3A_271] : memref<32x256x32x128xf32, #tpu.memory_space<hbm>> -> memref<1x8x32x128xf32, #tpu.memory_space<hbm>>
        %dma_start3A_273 = tpu.memref_squeeze %dma_start3A_272 : memref<1x8x32x128xf32, #tpu.memory_space<hbm>> -> memref<8x32x128xf32, #tpu.memory_space<hbm>>
        %dma_start3A_274 = arith.constant 0 : i32
        %dma_start3A_275 = arith.constant 0 : i32
        %dma_start3A_276 = arith.constant 0 : i32
        %dma_start3A_277 = tpu.memref_slice %arg7[%dma_start3A_264, %dma_start3A_274, %dma_start3A_275, %dma_start3A_276] : memref<2x8x32x128xf32, #tpu.memory_space<vmem>> -> memref<1x8x32x128xf32, #tpu.memory_space<vmem>>
        %dma_start3A_278 = tpu.memref_squeeze %dma_start3A_277 : memref<1x8x32x128xf32, #tpu.memory_space<vmem>> -> memref<8x32x128xf32, #tpu.memory_space<vmem>>
        %dma_start3A_279 = arith.constant 0 : i32
        %dma_start3A_280 = arith.constant 0 : i32
        %dma_start3A_281 = tpu.memref_slice %arg2[%add3A_18, %add3A_263, %dma_start3A_279, %dma_start3A_280] : memref<32x256x32x128xf32, #tpu.memory_space<hbm>> -> memref<1x8x32x128xf32, #tpu.memory_space<hbm>>
        %dma_start3A_282 = tpu.memref_squeeze %dma_start3A_281 : memref<1x8x32x128xf32, #tpu.memory_space<hbm>> -> memref<8x32x128xf32, #tpu.memory_space<hbm>>
        tpu.enqueue_dma source(%dma_start3A_282 : memref<8x32x128xf32, #tpu.memory_space<hbm>>) target(%dma_start3A_278 : memref<8x32x128xf32, #tpu.memory_space<vmem>>) target_semaphore(%arg13 : memref<!tpu.dma_semaphore, #tpu.memory_space<semaphore_mem>>)
      } else {
      }
      %mul3A_150 = arith.constant 8 : i32
      %mul3A_151 = arith.muli %add3A_98, %mul3A_150 : i32
      %add3A_152 = arith.addi %mul3A_34, %mul3A_151 : i32
      %dma_wait3A = arith.constant 0 : i32
      %dma_wait3A_153 = arith.constant 0 : i32
      %dma_wait3A_154 = arith.constant 0 : i32
      %dma_wait3A_155 = arith.constant 0 : i32
      %dma_wait3A_156 = tpu.memref_slice %arg7[%dma_wait3A, %dma_wait3A_153, %dma_wait3A_154, %dma_wait3A_155] : memref<2x8x32x128xf32, #tpu.memory_space<vmem>> -> memref<1x8x32x128xf32, #tpu.memory_space<vmem>>
      %dma_wait3A_157 = tpu.memref_squeeze %dma_wait3A_156 : memref<1x8x32x128xf32, #tpu.memory_space<vmem>> -> memref<8x32x128xf32, #tpu.memory_space<vmem>>
      %dma_wait3A_158 = arith.constant 0 : i32
      %dma_wait3A_159 = arith.constant 0 : i32
      %dma_wait3A_160 = tpu.memref_slice %arg2[%add3A_18, %add3A_152, %dma_wait3A_158, %dma_wait3A_159] : memref<32x256x32x128xf32, #tpu.memory_space<hbm>> -> memref<1x8x32x128xf32, #tpu.memory_space<hbm>>
      %dma_wait3A_161 = tpu.memref_squeeze %dma_wait3A_160 : memref<1x8x32x128xf32, #tpu.memory_space<hbm>> -> memref<8x32x128xf32, #tpu.memory_space<hbm>>
      %dma_wait3A_162 = arith.constant 0 : i32
      %dma_wait3A_163 = arith.constant 0 : i32
      %dma_wait3A_164 = arith.constant 0 : i32
      %dma_wait3A_165 = tpu.memref_slice %arg7[%dma_wait3A, %dma_wait3A_162, %dma_wait3A_163, %dma_wait3A_164] : memref<2x8x32x128xf32, #tpu.memory_space<vmem>> -> memref<1x8x32x128xf32, #tpu.memory_space<vmem>>
      %dma_wait3A_166 = tpu.memref_squeeze %dma_wait3A_165 : memref<1x8x32x128xf32, #tpu.memory_space<vmem>> -> memref<8x32x128xf32, #tpu.memory_space<vmem>>
      %dma_wait3A_167 = arith.constant 0 : i32
      %dma_wait3A_168 = arith.constant 0 : i32
      %dma_wait3A_169 = tpu.memref_slice %arg2[%add3A_18, %add3A_152, %dma_wait3A_167, %dma_wait3A_168] : memref<32x256x32x128xf32, #tpu.memory_space<hbm>> -> memref<1x8x32x128xf32, #tpu.memory_space<hbm>>
      %dma_wait3A_170 = tpu.memref_squeeze %dma_wait3A_169 : memref<1x8x32x128xf32, #tpu.memory_space<hbm>> -> memref<8x32x128xf32, #tpu.memory_space<hbm>>
      tpu.wait_dma2 semaphore(%arg12 : memref<!tpu.dma_semaphore, #tpu.memory_space<semaphore_mem>>) src(%dma_wait3A_170 : memref<8x32x128xf32, #tpu.memory_space<hbm>>) dst(%dma_wait3A_166 : memref<8x32x128xf32, #tpu.memory_space<vmem>>)
      %parallel_loop3A_171 = arith.constant 0 : i32
      %parallel_loop3A_172 = arith.constant 256 : i32
      %parallel_loop3A_173 = arith.constant 1 : i32
      scf.for %parallel_loop3A_259 = %parallel_loop3A_171 to %parallel_loop3A_172 step %parallel_loop3A_173  : i32 {
        %parallel_loop3A_260 = arith.constant 3 : i32
        %parallel_loop3A_261 = arith.shrsi %parallel_loop3A_259, %parallel_loop3A_260 : i32
        %parallel_loop3A_262 = arith.constant 7 : i32
        %parallel_loop3A_263 = arith.andi %parallel_loop3A_259, %parallel_loop3A_262 : i32
        %parallel_loop3A_264 = arith.constant 16 : i32
        %parallel_loop3A_265 = arith.muli %parallel_loop3A_263, %parallel_loop3A_264 : i32
        %parallel_loop3A_266 = arith.constant 0 : i32
        %parallel_loop3A_267 = arith.constant 0 : i32
        %parallel_loop3A_268 = arith.index_cast %parallel_loop3A_266 : i32 to index
        %parallel_loop3A_269 = arith.index_cast %parallel_loop3A_267 : i32 to index
        %parallel_loop3A_270 = arith.index_cast %parallel_loop3A_261 : i32 to index
        %parallel_loop3A_271 = arith.index_cast %parallel_loop3A_265 : i32 to index
        %parallel_loop3A_272 = tpu.vector_load %arg7[%parallel_loop3A_268, %parallel_loop3A_269, %parallel_loop3A_270, %parallel_loop3A_271] {strides = array<i32>} : memref<2x8x32x128xf32, #tpu.memory_space<vmem>>, vector<1x1x1x16xf32>,
        %parallel_loop3A_273 = vector.shape_cast %parallel_loop3A_272 : vector<1x1x1x16xf32> to vector<16xf32>
        %parallel_loop3A_274 = arith.constant 0 : i32
        %parallel_loop3A_275 = arith.constant 1 : i32
        %parallel_loop3A_276 = arith.index_cast %parallel_loop3A_274 : i32 to index
        %parallel_loop3A_277 = arith.index_cast %parallel_loop3A_275 : i32 to index
        %parallel_loop3A_278 = arith.index_cast %parallel_loop3A_261 : i32 to index
        %parallel_loop3A_279 = arith.index_cast %parallel_loop3A_265 : i32 to index
        %parallel_loop3A_280 = tpu.vector_load %arg7[%parallel_loop3A_276, %parallel_loop3A_277, %parallel_loop3A_278, %parallel_loop3A_279] {strides = array<i32>} : memref<2x8x32x128xf32, #tpu.memory_space<vmem>>, vector<1x1x1x16xf32>,
        %parallel_loop3A_281 = vector.shape_cast %parallel_loop3A_280 : vector<1x1x1x16xf32> to vector<16xf32>
        %parallel_loop3A_282 = arith.constant 0 : i32
        %parallel_loop3A_283 = arith.constant 2 : i32
        %parallel_loop3A_284 = arith.index_cast %parallel_loop3A_282 : i32 to index
        %parallel_loop3A_285 = arith.index_cast %parallel_loop3A_283 : i32 to index
        %parallel_loop3A_286 = arith.index_cast %parallel_loop3A_261 : i32 to index
        %parallel_loop3A_287 = arith.index_cast %parallel_loop3A_265 : i32 to index
        %parallel_loop3A_288 = tpu.vector_load %arg7[%parallel_loop3A_284, %parallel_loop3A_285, %parallel_loop3A_286, %parallel_loop3A_287] {strides = array<i32>} : memref<2x8x32x128xf32, #tpu.memory_space<vmem>>, vector<1x1x1x16xf32>,
        %parallel_loop3A_289 = vector.shape_cast %parallel_loop3A_288 : vector<1x1x1x16xf32> to vector<16xf32>
        %parallel_loop3A_290 = arith.constant 0 : i32
        %parallel_loop3A_291 = arith.constant 3 : i32
        %parallel_loop3A_292 = arith.index_cast %parallel_loop3A_290 : i32 to index
        %parallel_loop3A_293 = arith.index_cast %parallel_loop3A_291 : i32 to index
        %parallel_loop3A_294 = arith.index_cast %parallel_loop3A_261 : i32 to index
        %parallel_loop3A_295 = arith.index_cast %parallel_loop3A_265 : i32 to index
        %parallel_loop3A_296 = tpu.vector_load %arg7[%parallel_loop3A_292, %parallel_loop3A_293, %parallel_loop3A_294, %parallel_loop3A_295] {strides = array<i32>} : memref<2x8x32x128xf32, #tpu.memory_space<vmem>>, vector<1x1x1x16xf32>,
        %parallel_loop3A_297 = vector.shape_cast %parallel_loop3A_296 : vector<1x1x1x16xf32> to vector<16xf32>
        %parallel_loop3A_298 = arith.constant 0 : i32
        %parallel_loop3A_299 = arith.constant 4 : i32
        %parallel_loop3A_300 = arith.index_cast %parallel_loop3A_298 : i32 to index
        %parallel_loop3A_301 = arith.index_cast %parallel_loop3A_299 : i32 to index
        %parallel_loop3A_302 = arith.index_cast %parallel_loop3A_261 : i32 to index
        %parallel_loop3A_303 = arith.index_cast %parallel_loop3A_265 : i32 to index
        %parallel_loop3A_304 = tpu.vector_load %arg7[%parallel_loop3A_300, %parallel_loop3A_301, %parallel_loop3A_302, %parallel_loop3A_303] {strides = array<i32>} : memref<2x8x32x128xf32, #tpu.memory_space<vmem>>, vector<1x1x1x16xf32>,
        %parallel_loop3A_305 = vector.shape_cast %parallel_loop3A_304 : vector<1x1x1x16xf32> to vector<16xf32>
        %parallel_loop3A_306 = arith.constant 0 : i32
        %parallel_loop3A_307 = arith.constant 5 : i32
        %parallel_loop3A_308 = arith.index_cast %parallel_loop3A_306 : i32 to index
        %parallel_loop3A_309 = arith.index_cast %parallel_loop3A_307 : i32 to index
        %parallel_loop3A_310 = arith.index_cast %parallel_loop3A_261 : i32 to index
        %parallel_loop3A_311 = arith.index_cast %parallel_loop3A_265 : i32 to index
        %parallel_loop3A_312 = tpu.vector_load %arg7[%parallel_loop3A_308, %parallel_loop3A_309, %parallel_loop3A_310, %parallel_loop3A_311] {strides = array<i32>} : memref<2x8x32x128xf32, #tpu.memory_space<vmem>>, vector<1x1x1x16xf32>,
        %parallel_loop3A_313 = vector.shape_cast %parallel_loop3A_312 : vector<1x1x1x16xf32> to vector<16xf32>
        %parallel_loop3A_314 = arith.constant 0 : i32
        %parallel_loop3A_315 = arith.constant 6 : i32
        %parallel_loop3A_316 = arith.index_cast %parallel_loop3A_314 : i32 to index
        %parallel_loop3A_317 = arith.index_cast %parallel_loop3A_315 : i32 to index
        %parallel_loop3A_318 = arith.index_cast %parallel_loop3A_261 : i32 to index
        %parallel_loop3A_319 = arith.index_cast %parallel_loop3A_265 : i32 to index
        %parallel_loop3A_320 = tpu.vector_load %arg7[%parallel_loop3A_316, %parallel_loop3A_317, %parallel_loop3A_318, %parallel_loop3A_319] {strides = array<i32>} : memref<2x8x32x128xf32, #tpu.memory_space<vmem>>, vector<1x1x1x16xf32>,
        %parallel_loop3A_321 = vector.shape_cast %parallel_loop3A_320 : vector<1x1x1x16xf32> to vector<16xf32>
        %parallel_loop3A_322 = arith.constant 0 : i32
        %parallel_loop3A_323 = arith.constant 7 : i32
        %parallel_loop3A_324 = arith.index_cast %parallel_loop3A_322 : i32 to index
        %parallel_loop3A_325 = arith.index_cast %parallel_loop3A_323 : i32 to index
        %parallel_loop3A_326 = arith.index_cast %parallel_loop3A_261 : i32 to index
        %parallel_loop3A_327 = arith.index_cast %parallel_loop3A_265 : i32 to index
        %parallel_loop3A_328 = tpu.vector_load %arg7[%parallel_loop3A_324, %parallel_loop3A_325, %parallel_loop3A_326, %parallel_loop3A_327] {strides = array<i32>} : memref<2x8x32x128xf32, #tpu.memory_space<vmem>>, vector<1x1x1x16xf32>,
        %parallel_loop3A_329 = vector.shape_cast %parallel_loop3A_328 : vector<1x1x1x16xf32> to vector<16xf32>
        %parallel_loop3A_330 = arith.mulf %parallel_loop3A_273, %broadcast_in_dim3A_99 : vector<16xf32>
        %parallel_loop3A_331 = arith.mulf %parallel_loop3A_281, %broadcast_in_dim3A_102 : vector<16xf32>
        %parallel_loop3A_332 = arith.addf %parallel_loop3A_330, %parallel_loop3A_331 : vector<16xf32>
        %parallel_loop3A_333 = arith.mulf %parallel_loop3A_289, %broadcast_in_dim3A_105 : vector<16xf32>
        %parallel_loop3A_334 = arith.mulf %parallel_loop3A_297, %broadcast_in_dim3A_108 : vector<16xf32>
        %parallel_loop3A_335 = arith.addf %parallel_loop3A_333, %parallel_loop3A_334 : vector<16xf32>
        %parallel_loop3A_336 = arith.addf %parallel_loop3A_332, %parallel_loop3A_335 : vector<16xf32>
        %parallel_loop3A_337 = arith.mulf %parallel_loop3A_305, %broadcast_in_dim3A_111 : vector<16xf32>
        %parallel_loop3A_338 = arith.mulf %parallel_loop3A_313, %broadcast_in_dim3A_114 : vector<16xf32>
        %parallel_loop3A_339 = arith.addf %parallel_loop3A_337, %parallel_loop3A_338 : vector<16xf32>
        %parallel_loop3A_340 = arith.mulf %parallel_loop3A_321, %broadcast_in_dim3A_117 : vector<16xf32>
        %parallel_loop3A_341 = arith.mulf %parallel_loop3A_329, %broadcast_in_dim3A_120 : vector<16xf32>
        %parallel_loop3A_342 = arith.addf %parallel_loop3A_340, %parallel_loop3A_341 : vector<16xf32>
        %parallel_loop3A_343 = arith.addf %parallel_loop3A_339, %parallel_loop3A_342 : vector<16xf32>
        %parallel_loop3A_344 = arith.mulf %parallel_loop3A_273, %broadcast_in_dim3A_123 : vector<16xf32>
        %parallel_loop3A_345 = arith.mulf %parallel_loop3A_281, %broadcast_in_dim3A_126 : vector<16xf32>
        %parallel_loop3A_346 = arith.addf %parallel_loop3A_344, %parallel_loop3A_345 : vector<16xf32>
        %parallel_loop3A_347 = arith.mulf %parallel_loop3A_289, %broadcast_in_dim3A_129 : vector<16xf32>
        %parallel_loop3A_348 = arith.mulf %parallel_loop3A_297, %broadcast_in_dim3A_132 : vector<16xf32>
        %parallel_loop3A_349 = arith.addf %parallel_loop3A_347, %parallel_loop3A_348 : vector<16xf32>
        %parallel_loop3A_350 = arith.addf %parallel_loop3A_346, %parallel_loop3A_349 : vector<16xf32>
        %parallel_loop3A_351 = arith.mulf %parallel_loop3A_305, %broadcast_in_dim3A_135 : vector<16xf32>
        %parallel_loop3A_352 = arith.mulf %parallel_loop3A_313, %broadcast_in_dim3A_138 : vector<16xf32>
        %parallel_loop3A_353 = arith.addf %parallel_loop3A_351, %parallel_loop3A_352 : vector<16xf32>
        %parallel_loop3A_354 = arith.mulf %parallel_loop3A_321, %broadcast_in_dim3A_141 : vector<16xf32>
        %parallel_loop3A_355 = arith.mulf %parallel_loop3A_329, %broadcast_in_dim3A_144 : vector<16xf32>
        %parallel_loop3A_356 = arith.addf %parallel_loop3A_354, %parallel_loop3A_355 : vector<16xf32>
        %parallel_loop3A_357 = arith.addf %parallel_loop3A_353, %parallel_loop3A_356 : vector<16xf32>
        %parallel_loop3A_358 = arith.index_cast %parallel_loop3A_261 : i32 to index
        %parallel_loop3A_359 = arith.index_cast %parallel_loop3A_265 : i32 to index
        %parallel_loop3A_360 = tpu.vector_load %arg10[%parallel_loop3A_358, %parallel_loop3A_359] {strides = array<i32>} : memref<32x128xf32, #tpu.memory_space<vmem>>, vector<1x16xf32>,
        %parallel_loop3A_361 = vector.shape_cast %parallel_loop3A_360 : vector<1x16xf32> to vector<16xf32>
        %parallel_loop3A_362 = arith.addf %parallel_loop3A_336, %parallel_loop3A_343 : vector<16xf32>
        %parallel_loop3A_363 = arith.addf %parallel_loop3A_361, %parallel_loop3A_362 : vector<16xf32>
        %parallel_loop3A_364 = arith.index_cast %parallel_loop3A_261 : i32 to index
        %parallel_loop3A_365 = arith.index_cast %parallel_loop3A_265 : i32 to index
        %parallel_loop3A_366 = tpu.vector_load %arg10[%parallel_loop3A_364, %parallel_loop3A_365] {strides = array<i32>} : memref<32x128xf32, #tpu.memory_space<vmem>>, vector<1x16xf32>,
        %parallel_loop3A_367 = vector.shape_cast %parallel_loop3A_366 : vector<1x16xf32> to vector<16xf32>
        %parallel_loop3A_368 = vector.shape_cast %parallel_loop3A_363 : vector<16xf32> to vector<1x16xf32>
        tpu.vector_store %arg10[%parallel_loop3A_364, %parallel_loop3A_365], %parallel_loop3A_368 {strides = array<i32>} : memref<32x128xf32, #tpu.memory_space<vmem>>, vector<1x16xf32>,
        %parallel_loop3A_369 = arith.index_cast %parallel_loop3A_261 : i32 to index
        %parallel_loop3A_370 = arith.index_cast %parallel_loop3A_265 : i32 to index
        %parallel_loop3A_371 = tpu.vector_load %arg11[%parallel_loop3A_369, %parallel_loop3A_370] {strides = array<i32>} : memref<32x128xf32, #tpu.memory_space<vmem>>, vector<1x16xf32>,
        %parallel_loop3A_372 = vector.shape_cast %parallel_loop3A_371 : vector<1x16xf32> to vector<16xf32>
        %parallel_loop3A_373 = arith.addf %parallel_loop3A_350, %parallel_loop3A_357 : vector<16xf32>
        %parallel_loop3A_374 = arith.addf %parallel_loop3A_372, %parallel_loop3A_373 : vector<16xf32>
        %parallel_loop3A_375 = arith.index_cast %parallel_loop3A_261 : i32 to index
        %parallel_loop3A_376 = arith.index_cast %parallel_loop3A_265 : i32 to index
        %parallel_loop3A_377 = tpu.vector_load %arg11[%parallel_loop3A_375, %parallel_loop3A_376] {strides = array<i32>} : memref<32x128xf32, #tpu.memory_space<vmem>>, vector<1x16xf32>,
        %parallel_loop3A_378 = vector.shape_cast %parallel_loop3A_377 : vector<1x16xf32> to vector<16xf32>
        %parallel_loop3A_379 = vector.shape_cast %parallel_loop3A_374 : vector<16xf32> to vector<1x16xf32>
        tpu.vector_store %arg11[%parallel_loop3A_375, %parallel_loop3A_376], %parallel_loop3A_379 {strides = array<i32>} : memref<32x128xf32, #tpu.memory_space<vmem>>, vector<1x16xf32>,
      } {sc.loop_unroll_factor = 4 : i64, sc.parallel_access}
      %mul3A_174 = arith.constant 2 : i32
      %mul3A_175 = arith.muli %scan3A_73, %mul3A_174 : i32
      %add3A_176 = arith.constant 1 : i32
      %add3A_177 = arith.addi %mul3A_175, %add3A_176 : i32
      %slice3A_178 = vector.extract_strided_slice %get3A_86 {offsets = [8], sizes = [1], strides = [1]} : vector<16xf32> to vector<1xf32>
      %squeeze3A_179 = vector.extract %slice3A_178[0] : f32 from vector<1xf32>
      %broadcast_in_dim3A_180 = vector.broadcast %squeeze3A_179 : f32 to vector<16xf32>
      %slice3A_181 = vector.extract_strided_slice %get3A_86 {offsets = [9], sizes = [1], strides = [1]} : vector<16xf32> to vector<1xf32>
      %squeeze3A_182 = vector.extract %slice3A_181[0] : f32 from vector<1xf32>
      %broadcast_in_dim3A_183 = vector.broadcast %squeeze3A_182 : f32 to vector<16xf32>
      %slice3A_184 = vector.extract_strided_slice %get3A_86 {offsets = [10], sizes = [1], strides = [1]} : vector<16xf32> to vector<1xf32>
      %squeeze3A_185 = vector.extract %slice3A_184[0] : f32 from vector<1xf32>
      %broadcast_in_dim3A_186 = vector.broadcast %squeeze3A_185 : f32 to vector<16xf32>
      %slice3A_187 = vector.extract_strided_slice %get3A_86 {offsets = [11], sizes = [1], strides = [1]} : vector<16xf32> to vector<1xf32>
      %squeeze3A_188 = vector.extract %slice3A_187[0] : f32 from vector<1xf32>
      %broadcast_in_dim3A_189 = vector.broadcast %squeeze3A_188 : f32 to vector<16xf32>
      %slice3A_190 = vector.extract_strided_slice %get3A_86 {offsets = [12], sizes = [1], strides = [1]} : vector<16xf32> to vector<1xf32>
      %squeeze3A_191 = vector.extract %slice3A_190[0] : f32 from vector<1xf32>
      %broadcast_in_dim3A_192 = vector.broadcast %squeeze3A_191 : f32 to vector<16xf32>
      %slice3A_193 = vector.extract_strided_slice %get3A_86 {offsets = [13], sizes = [1], strides = [1]} : vector<16xf32> to vector<1xf32>
      %squeeze3A_194 = vector.extract %slice3A_193[0] : f32 from vector<1xf32>
      %broadcast_in_dim3A_195 = vector.broadcast %squeeze3A_194 : f32 to vector<16xf32>
      %slice3A_196 = vector.extract_strided_slice %get3A_86 {offsets = [14], sizes = [1], strides = [1]} : vector<16xf32> to vector<1xf32>
      %squeeze3A_197 = vector.extract %slice3A_196[0] : f32 from vector<1xf32>
      %broadcast_in_dim3A_198 = vector.broadcast %squeeze3A_197 : f32 to vector<16xf32>
      %slice3A_199 = vector.extract_strided_slice %get3A_86 {offsets = [15], sizes = [1], strides = [1]} : vector<16xf32> to vector<1xf32>
      %squeeze3A_200 = vector.extract %slice3A_199[0] : f32 from vector<1xf32>
      %broadcast_in_dim3A_201 = vector.broadcast %squeeze3A_200 : f32 to vector<16xf32>
      %slice3A_202 = vector.extract_strided_slice %get3A_94 {offsets = [8], sizes = [1], strides = [1]} : vector<16xf32> to vector<1xf32>
      %squeeze3A_203 = vector.extract %slice3A_202[0] : f32 from vector<1xf32>
      %broadcast_in_dim3A_204 = vector.broadcast %squeeze3A_203 : f32 to vector<16xf32>
      %slice3A_205 = vector.extract_strided_slice %get3A_94 {offsets = [9], sizes = [1], strides = [1]} : vector<16xf32> to vector<1xf32>
      %squeeze3A_206 = vector.extract %slice3A_205[0] : f32 from vector<1xf32>
      %broadcast_in_dim3A_207 = vector.broadcast %squeeze3A_206 : f32 to vector<16xf32>
      %slice3A_208 = vector.extract_strided_slice %get3A_94 {offsets = [10], sizes = [1], strides = [1]} : vector<16xf32> to vector<1xf32>
      %squeeze3A_209 = vector.extract %slice3A_208[0] : f32 from vector<1xf32>
      %broadcast_in_dim3A_210 = vector.broadcast %squeeze3A_209 : f32 to vector<16xf32>
      %slice3A_211 = vector.extract_strided_slice %get3A_94 {offsets = [11], sizes = [1], strides = [1]} : vector<16xf32> to vector<1xf32>
      %squeeze3A_212 = vector.extract %slice3A_211[0] : f32 from vector<1xf32>
      %broadcast_in_dim3A_213 = vector.broadcast %squeeze3A_212 : f32 to vector<16xf32>
      %slice3A_214 = vector.extract_strided_slice %get3A_94 {offsets = [12], sizes = [1], strides = [1]} : vector<16xf32> to vector<1xf32>
      %squeeze3A_215 = vector.extract %slice3A_214[0] : f32 from vector<1xf32>
      %broadcast_in_dim3A_216 = vector.broadcast %squeeze3A_215 : f32 to vector<16xf32>
      %slice3A_217 = vector.extract_strided_slice %get3A_94 {offsets = [13], sizes = [1], strides = [1]} : vector<16xf32> to vector<1xf32>
      %squeeze3A_218 = vector.extract %slice3A_217[0] : f32 from vector<1xf32>
      %broadcast_in_dim3A_219 = vector.broadcast %squeeze3A_218 : f32 to vector<16xf32>
      %slice3A_220 = vector.extract_strided_slice %get3A_94 {offsets = [14], sizes = [1], strides = [1]} : vector<16xf32> to vector<1xf32>
      %squeeze3A_221 = vector.extract %slice3A_220[0] : f32 from vector<1xf32>
      %broadcast_in_dim3A_222 = vector.broadcast %squeeze3A_221 : f32 to vector<16xf32>
      %slice3A_223 = vector.extract_strided_slice %get3A_94 {offsets = [15], sizes = [1], strides = [1]} : vector<16xf32> to vector<1xf32>
      %squeeze3A_224 = vector.extract %slice3A_223[0] : f32 from vector<1xf32>
      %broadcast_in_dim3A_225 = vector.broadcast %squeeze3A_224 : f32 to vector<16xf32>
      %add3A_226 = arith.constant 1 : i32
      %add3A_227 = arith.addi %add3A_177, %add3A_226 : i32
      %lt3A_228 = arith.constant 4 : i32
      %lt3A_229 = arith.cmpi slt, %add3A_227, %lt3A_228 : i32
      %convert_element_type3A_230 = arith.extui %lt3A_229 : i1 to i32
      %cond3A_231 = arith.constant 0 : i32
      %cond3A_232 = arith.cmpi ne, %convert_element_type3A_230, %cond3A_231 : i32
      scf.if %cond3A_232 {
        %add3A_259 = arith.constant 1 : i32
        %add3A_260 = arith.addi %add3A_177, %add3A_259 : i32
        %mul3A_261 = arith.constant 8 : i32
        %mul3A_262 = arith.muli %add3A_260, %mul3A_261 : i32
        %add3A_263 = arith.addi %mul3A_34, %mul3A_262 : i32
        %dma_start3A_264 = arith.constant 0 : i32
        %dma_start3A_265 = arith.constant 0 : i32
        %dma_start3A_266 = arith.constant 0 : i32
        %dma_start3A_267 = arith.constant 0 : i32
        %dma_start3A_268 = tpu.memref_slice %arg7[%dma_start3A_264, %dma_start3A_265, %dma_start3A_266, %dma_start3A_267] : memref<2x8x32x128xf32, #tpu.memory_space<vmem>> -> memref<1x8x32x128xf32, #tpu.memory_space<vmem>>
        %dma_start3A_269 = tpu.memref_squeeze %dma_start3A_268 : memref<1x8x32x128xf32, #tpu.memory_space<vmem>> -> memref<8x32x128xf32, #tpu.memory_space<vmem>>
        %dma_start3A_270 = arith.constant 0 : i32
        %dma_start3A_271 = arith.constant 0 : i32
        %dma_start3A_272 = tpu.memref_slice %arg2[%add3A_18, %add3A_263, %dma_start3A_270, %dma_start3A_271] : memref<32x256x32x128xf32, #tpu.memory_space<hbm>> -> memref<1x8x32x128xf32, #tpu.memory_space<hbm>>
        %dma_start3A_273 = tpu.memref_squeeze %dma_start3A_272 : memref<1x8x32x128xf32, #tpu.memory_space<hbm>> -> memref<8x32x128xf32, #tpu.memory_space<hbm>>
        %dma_start3A_274 = arith.constant 0 : i32
        %dma_start3A_275 = arith.constant 0 : i32
        %dma_start3A_276 = arith.constant 0 : i32
        %dma_start3A_277 = tpu.memref_slice %arg7[%dma_start3A_264, %dma_start3A_274, %dma_start3A_275, %dma_start3A_276] : memref<2x8x32x128xf32, #tpu.memory_space<vmem>> -> memref<1x8x32x128xf32, #tpu.memory_space<vmem>>
        %dma_start3A_278 = tpu.memref_squeeze %dma_start3A_277 : memref<1x8x32x128xf32, #tpu.memory_space<vmem>> -> memref<8x32x128xf32, #tpu.memory_space<vmem>>
        %dma_start3A_279 = arith.constant 0 : i32
        %dma_start3A_280 = arith.constant 0 : i32
        %dma_start3A_281 = tpu.memref_slice %arg2[%add3A_18, %add3A_263, %dma_start3A_279, %dma_start3A_280] : memref<32x256x32x128xf32, #tpu.memory_space<hbm>> -> memref<1x8x32x128xf32, #tpu.memory_space<hbm>>
        %dma_start3A_282 = tpu.memref_squeeze %dma_start3A_281 : memref<1x8x32x128xf32, #tpu.memory_space<hbm>> -> memref<8x32x128xf32, #tpu.memory_space<hbm>>
        tpu.enqueue_dma source(%dma_start3A_282 : memref<8x32x128xf32, #tpu.memory_space<hbm>>) target(%dma_start3A_278 : memref<8x32x128xf32, #tpu.memory_space<vmem>>) target_semaphore(%arg12 : memref<!tpu.dma_semaphore, #tpu.memory_space<semaphore_mem>>)
      } else {
      }
      %mul3A_233 = arith.constant 8 : i32
      %mul3A_234 = arith.muli %add3A_177, %mul3A_233 : i32
      %add3A_235 = arith.addi %mul3A_34, %mul3A_234 : i32
      %dma_wait3A_236 = arith.constant 1 : i32
      %dma_wait3A_237 = arith.constant 0 : i32
      %dma_wait3A_238 = arith.constant 0 : i32
      %dma_wait3A_239 = arith.constant 0 : i32
      %dma_wait3A_240 = tpu.memref_slice %arg7[%dma_wait3A_236, %dma_wait3A_237, %dma_wait3A_238, %dma_wait3A_239] : memref<2x8x32x128xf32, #tpu.memory_space<vmem>> -> memref<1x8x32x128xf32, #tpu.memory_space<vmem>>
      %dma_wait3A_241 = tpu.memref_squeeze %dma_wait3A_240 : memref<1x8x32x128xf32, #tpu.memory_space<vmem>> -> memref<8x32x128xf32, #tpu.memory_space<vmem>>
      %dma_wait3A_242 = arith.constant 0 : i32
      %dma_wait3A_243 = arith.constant 0 : i32
      %dma_wait3A_244 = tpu.memref_slice %arg2[%add3A_18, %add3A_235, %dma_wait3A_242, %dma_wait3A_243] : memref<32x256x32x128xf32, #tpu.memory_space<hbm>> -> memref<1x8x32x128xf32, #tpu.memory_space<hbm>>
      %dma_wait3A_245 = tpu.memref_squeeze %dma_wait3A_244 : memref<1x8x32x128xf32, #tpu.memory_space<hbm>> -> memref<8x32x128xf32, #tpu.memory_space<hbm>>
      %dma_wait3A_246 = arith.constant 0 : i32
      %dma_wait3A_247 = arith.constant 0 : i32
      %dma_wait3A_248 = arith.constant 0 : i32
      %dma_wait3A_249 = tpu.memref_slice %arg7[%dma_wait3A_236, %dma_wait3A_246, %dma_wait3A_247, %dma_wait3A_248] : memref<2x8x32x128xf32, #tpu.memory_space<vmem>> -> memref<1x8x32x128xf32, #tpu.memory_space<vmem>>
      %dma_wait3A_250 = tpu.memref_squeeze %dma_wait3A_249 : memref<1x8x32x128xf32, #tpu.memory_space<vmem>> -> memref<8x32x128xf32, #tpu.memory_space<vmem>>
      %dma_wait3A_251 = arith.constant 0 : i32
      %dma_wait3A_252 = arith.constant 0 : i32
      %dma_wait3A_253 = tpu.memref_slice %arg2[%add3A_18, %add3A_235, %dma_wait3A_251, %dma_wait3A_252] : memref<32x256x32x128xf32, #tpu.memory_space<hbm>> -> memref<1x8x32x128xf32, #tpu.memory_space<hbm>>
      %dma_wait3A_254 = tpu.memref_squeeze %dma_wait3A_253 : memref<1x8x32x128xf32, #tpu.memory_space<hbm>> -> memref<8x32x128xf32, #tpu.memory_space<hbm>>
      tpu.wait_dma2 semaphore(%arg13 : memref<!tpu.dma_semaphore, #tpu.memory_space<semaphore_mem>>) src(%dma_wait3A_254 : memref<8x32x128xf32, #tpu.memory_space<hbm>>) dst(%dma_wait3A_250 : memref<8x32x128xf32, #tpu.memory_space<vmem>>)
      %parallel_loop3A_255 = arith.constant 0 : i32
      %parallel_loop3A_256 = arith.constant 256 : i32
      %parallel_loop3A_257 = arith.constant 1 : i32
      scf.for %parallel_loop3A_259 = %parallel_loop3A_255 to %parallel_loop3A_256 step %parallel_loop3A_257  : i32 {
        %parallel_loop3A_260 = arith.constant 3 : i32
        %parallel_loop3A_261 = arith.shrsi %parallel_loop3A_259, %parallel_loop3A_260 : i32
        %parallel_loop3A_262 = arith.constant 7 : i32
        %parallel_loop3A_263 = arith.andi %parallel_loop3A_259, %parallel_loop3A_262 : i32
        %parallel_loop3A_264 = arith.constant 16 : i32
        %parallel_loop3A_265 = arith.muli %parallel_loop3A_263, %parallel_loop3A_264 : i32
        %parallel_loop3A_266 = arith.constant 1 : i32
        %parallel_loop3A_267 = arith.constant 0 : i32
        %parallel_loop3A_268 = arith.index_cast %parallel_loop3A_266 : i32 to index
        %parallel_loop3A_269 = arith.index_cast %parallel_loop3A_267 : i32 to index
        %parallel_loop3A_270 = arith.index_cast %parallel_loop3A_261 : i32 to index
        %parallel_loop3A_271 = arith.index_cast %parallel_loop3A_265 : i32 to index
        %parallel_loop3A_272 = tpu.vector_load %arg7[%parallel_loop3A_268, %parallel_loop3A_269, %parallel_loop3A_270, %parallel_loop3A_271] {strides = array<i32>} : memref<2x8x32x128xf32, #tpu.memory_space<vmem>>, vector<1x1x1x16xf32>,
        %parallel_loop3A_273 = vector.shape_cast %parallel_loop3A_272 : vector<1x1x1x16xf32> to vector<16xf32>
        %parallel_loop3A_274 = arith.constant 1 : i32
        %parallel_loop3A_275 = arith.constant 1 : i32
        %parallel_loop3A_276 = arith.index_cast %parallel_loop3A_274 : i32 to index
        %parallel_loop3A_277 = arith.index_cast %parallel_loop3A_275 : i32 to index
        %parallel_loop3A_278 = arith.index_cast %parallel_loop3A_261 : i32 to index
        %parallel_loop3A_279 = arith.index_cast %parallel_loop3A_265 : i32 to index
        %parallel_loop3A_280 = tpu.vector_load %arg7[%parallel_loop3A_276, %parallel_loop3A_277, %parallel_loop3A_278, %parallel_loop3A_279] {strides = array<i32>} : memref<2x8x32x128xf32, #tpu.memory_space<vmem>>, vector<1x1x1x16xf32>,
        %parallel_loop3A_281 = vector.shape_cast %parallel_loop3A_280 : vector<1x1x1x16xf32> to vector<16xf32>
        %parallel_loop3A_282 = arith.constant 1 : i32
        %parallel_loop3A_283 = arith.constant 2 : i32
        %parallel_loop3A_284 = arith.index_cast %parallel_loop3A_282 : i32 to index
        %parallel_loop3A_285 = arith.index_cast %parallel_loop3A_283 : i32 to index
        %parallel_loop3A_286 = arith.index_cast %parallel_loop3A_261 : i32 to index
        %parallel_loop3A_287 = arith.index_cast %parallel_loop3A_265 : i32 to index
        %parallel_loop3A_288 = tpu.vector_load %arg7[%parallel_loop3A_284, %parallel_loop3A_285, %parallel_loop3A_286, %parallel_loop3A_287] {strides = array<i32>} : memref<2x8x32x128xf32, #tpu.memory_space<vmem>>, vector<1x1x1x16xf32>,
        %parallel_loop3A_289 = vector.shape_cast %parallel_loop3A_288 : vector<1x1x1x16xf32> to vector<16xf32>
        %parallel_loop3A_290 = arith.constant 1 : i32
        %parallel_loop3A_291 = arith.constant 3 : i32
        %parallel_loop3A_292 = arith.index_cast %parallel_loop3A_290 : i32 to index
        %parallel_loop3A_293 = arith.index_cast %parallel_loop3A_291 : i32 to index
        %parallel_loop3A_294 = arith.index_cast %parallel_loop3A_261 : i32 to index
        %parallel_loop3A_295 = arith.index_cast %parallel_loop3A_265 : i32 to index
        %parallel_loop3A_296 = tpu.vector_load %arg7[%parallel_loop3A_292, %parallel_loop3A_293, %parallel_loop3A_294, %parallel_loop3A_295] {strides = array<i32>} : memref<2x8x32x128xf32, #tpu.memory_space<vmem>>, vector<1x1x1x16xf32>,
        %parallel_loop3A_297 = vector.shape_cast %parallel_loop3A_296 : vector<1x1x1x16xf32> to vector<16xf32>
        %parallel_loop3A_298 = arith.constant 1 : i32
        %parallel_loop3A_299 = arith.constant 4 : i32
        %parallel_loop3A_300 = arith.index_cast %parallel_loop3A_298 : i32 to index
        %parallel_loop3A_301 = arith.index_cast %parallel_loop3A_299 : i32 to index
        %parallel_loop3A_302 = arith.index_cast %parallel_loop3A_261 : i32 to index
        %parallel_loop3A_303 = arith.index_cast %parallel_loop3A_265 : i32 to index
        %parallel_loop3A_304 = tpu.vector_load %arg7[%parallel_loop3A_300, %parallel_loop3A_301, %parallel_loop3A_302, %parallel_loop3A_303] {strides = array<i32>} : memref<2x8x32x128xf32, #tpu.memory_space<vmem>>, vector<1x1x1x16xf32>,
        %parallel_loop3A_305 = vector.shape_cast %parallel_loop3A_304 : vector<1x1x1x16xf32> to vector<16xf32>
        %parallel_loop3A_306 = arith.constant 1 : i32
        %parallel_loop3A_307 = arith.constant 5 : i32
        %parallel_loop3A_308 = arith.index_cast %parallel_loop3A_306 : i32 to index
        %parallel_loop3A_309 = arith.index_cast %parallel_loop3A_307 : i32 to index
        %parallel_loop3A_310 = arith.index_cast %parallel_loop3A_261 : i32 to index
        %parallel_loop3A_311 = arith.index_cast %parallel_loop3A_265 : i32 to index
        %parallel_loop3A_312 = tpu.vector_load %arg7[%parallel_loop3A_308, %parallel_loop3A_309, %parallel_loop3A_310, %parallel_loop3A_311] {strides = array<i32>} : memref<2x8x32x128xf32, #tpu.memory_space<vmem>>, vector<1x1x1x16xf32>,
        %parallel_loop3A_313 = vector.shape_cast %parallel_loop3A_312 : vector<1x1x1x16xf32> to vector<16xf32>
        %parallel_loop3A_314 = arith.constant 1 : i32
        %parallel_loop3A_315 = arith.constant 6 : i32
        %parallel_loop3A_316 = arith.index_cast %parallel_loop3A_314 : i32 to index
        %parallel_loop3A_317 = arith.index_cast %parallel_loop3A_315 : i32 to index
        %parallel_loop3A_318 = arith.index_cast %parallel_loop3A_261 : i32 to index
        %parallel_loop3A_319 = arith.index_cast %parallel_loop3A_265 : i32 to index
        %parallel_loop3A_320 = tpu.vector_load %arg7[%parallel_loop3A_316, %parallel_loop3A_317, %parallel_loop3A_318, %parallel_loop3A_319] {strides = array<i32>} : memref<2x8x32x128xf32, #tpu.memory_space<vmem>>, vector<1x1x1x16xf32>,
        %parallel_loop3A_321 = vector.shape_cast %parallel_loop3A_320 : vector<1x1x1x16xf32> to vector<16xf32>
        %parallel_loop3A_322 = arith.constant 1 : i32
        %parallel_loop3A_323 = arith.constant 7 : i32
        %parallel_loop3A_324 = arith.index_cast %parallel_loop3A_322 : i32 to index
        %parallel_loop3A_325 = arith.index_cast %parallel_loop3A_323 : i32 to index
        %parallel_loop3A_326 = arith.index_cast %parallel_loop3A_261 : i32 to index
        %parallel_loop3A_327 = arith.index_cast %parallel_loop3A_265 : i32 to index
        %parallel_loop3A_328 = tpu.vector_load %arg7[%parallel_loop3A_324, %parallel_loop3A_325, %parallel_loop3A_326, %parallel_loop3A_327] {strides = array<i32>} : memref<2x8x32x128xf32, #tpu.memory_space<vmem>>, vector<1x1x1x16xf32>,
        %parallel_loop3A_329 = vector.shape_cast %parallel_loop3A_328 : vector<1x1x1x16xf32> to vector<16xf32>
        %parallel_loop3A_330 = arith.mulf %parallel_loop3A_273, %broadcast_in_dim3A_180 : vector<16xf32>
        %parallel_loop3A_331 = arith.mulf %parallel_loop3A_281, %broadcast_in_dim3A_183 : vector<16xf32>
        %parallel_loop3A_332 = arith.addf %parallel_loop3A_330, %parallel_loop3A_331 : vector<16xf32>
        %parallel_loop3A_333 = arith.mulf %parallel_loop3A_289, %broadcast_in_dim3A_186 : vector<16xf32>
        %parallel_loop3A_334 = arith.mulf %parallel_loop3A_297, %broadcast_in_dim3A_189 : vector<16xf32>
        %parallel_loop3A_335 = arith.addf %parallel_loop3A_333, %parallel_loop3A_334 : vector<16xf32>
        %parallel_loop3A_336 = arith.addf %parallel_loop3A_332, %parallel_loop3A_335 : vector<16xf32>
        %parallel_loop3A_337 = arith.mulf %parallel_loop3A_305, %broadcast_in_dim3A_192 : vector<16xf32>
        %parallel_loop3A_338 = arith.mulf %parallel_loop3A_313, %broadcast_in_dim3A_195 : vector<16xf32>
        %parallel_loop3A_339 = arith.addf %parallel_loop3A_337, %parallel_loop3A_338 : vector<16xf32>
        %parallel_loop3A_340 = arith.mulf %parallel_loop3A_321, %broadcast_in_dim3A_198 : vector<16xf32>
        %parallel_loop3A_341 = arith.mulf %parallel_loop3A_329, %broadcast_in_dim3A_201 : vector<16xf32>
        %parallel_loop3A_342 = arith.addf %parallel_loop3A_340, %parallel_loop3A_341 : vector<16xf32>
        %parallel_loop3A_343 = arith.addf %parallel_loop3A_339, %parallel_loop3A_342 : vector<16xf32>
        %parallel_loop3A_344 = arith.mulf %parallel_loop3A_273, %broadcast_in_dim3A_204 : vector<16xf32>
        %parallel_loop3A_345 = arith.mulf %parallel_loop3A_281, %broadcast_in_dim3A_207 : vector<16xf32>
        %parallel_loop3A_346 = arith.addf %parallel_loop3A_344, %parallel_loop3A_345 : vector<16xf32>
        %parallel_loop3A_347 = arith.mulf %parallel_loop3A_289, %broadcast_in_dim3A_210 : vector<16xf32>
        %parallel_loop3A_348 = arith.mulf %parallel_loop3A_297, %broadcast_in_dim3A_213 : vector<16xf32>
        %parallel_loop3A_349 = arith.addf %parallel_loop3A_347, %parallel_loop3A_348 : vector<16xf32>
        %parallel_loop3A_350 = arith.addf %parallel_loop3A_346, %parallel_loop3A_349 : vector<16xf32>
        %parallel_loop3A_351 = arith.mulf %parallel_loop3A_305, %broadcast_in_dim3A_216 : vector<16xf32>
        %parallel_loop3A_352 = arith.mulf %parallel_loop3A_313, %broadcast_in_dim3A_219 : vector<16xf32>
        %parallel_loop3A_353 = arith.addf %parallel_loop3A_351, %parallel_loop3A_352 : vector<16xf32>
        %parallel_loop3A_354 = arith.mulf %parallel_loop3A_321, %broadcast_in_dim3A_222 : vector<16xf32>
        %parallel_loop3A_355 = arith.mulf %parallel_loop3A_329, %broadcast_in_dim3A_225 : vector<16xf32>
        %parallel_loop3A_356 = arith.addf %parallel_loop3A_354, %parallel_loop3A_355 : vector<16xf32>
        %parallel_loop3A_357 = arith.addf %parallel_loop3A_353, %parallel_loop3A_356 : vector<16xf32>
        %parallel_loop3A_358 = arith.index_cast %parallel_loop3A_261 : i32 to index
        %parallel_loop3A_359 = arith.index_cast %parallel_loop3A_265 : i32 to index
        %parallel_loop3A_360 = tpu.vector_load %arg10[%parallel_loop3A_358, %parallel_loop3A_359] {strides = array<i32>} : memref<32x128xf32, #tpu.memory_space<vmem>>, vector<1x16xf32>,
        %parallel_loop3A_361 = vector.shape_cast %parallel_loop3A_360 : vector<1x16xf32> to vector<16xf32>
        %parallel_loop3A_362 = arith.addf %parallel_loop3A_336, %parallel_loop3A_343 : vector<16xf32>
        %parallel_loop3A_363 = arith.addf %parallel_loop3A_361, %parallel_loop3A_362 : vector<16xf32>
        %parallel_loop3A_364 = arith.index_cast %parallel_loop3A_261 : i32 to index
        %parallel_loop3A_365 = arith.index_cast %parallel_loop3A_265 : i32 to index
        %parallel_loop3A_366 = tpu.vector_load %arg10[%parallel_loop3A_364, %parallel_loop3A_365] {strides = array<i32>} : memref<32x128xf32, #tpu.memory_space<vmem>>, vector<1x16xf32>,
        %parallel_loop3A_367 = vector.shape_cast %parallel_loop3A_366 : vector<1x16xf32> to vector<16xf32>
        %parallel_loop3A_368 = vector.shape_cast %parallel_loop3A_363 : vector<16xf32> to vector<1x16xf32>
        tpu.vector_store %arg10[%parallel_loop3A_364, %parallel_loop3A_365], %parallel_loop3A_368 {strides = array<i32>} : memref<32x128xf32, #tpu.memory_space<vmem>>, vector<1x16xf32>,
        %parallel_loop3A_369 = arith.index_cast %parallel_loop3A_261 : i32 to index
        %parallel_loop3A_370 = arith.index_cast %parallel_loop3A_265 : i32 to index
        %parallel_loop3A_371 = tpu.vector_load %arg11[%parallel_loop3A_369, %parallel_loop3A_370] {strides = array<i32>} : memref<32x128xf32, #tpu.memory_space<vmem>>, vector<1x16xf32>,
        %parallel_loop3A_372 = vector.shape_cast %parallel_loop3A_371 : vector<1x16xf32> to vector<16xf32>
        %parallel_loop3A_373 = arith.addf %parallel_loop3A_350, %parallel_loop3A_357 : vector<16xf32>
        %parallel_loop3A_374 = arith.addf %parallel_loop3A_372, %parallel_loop3A_373 : vector<16xf32>
        %parallel_loop3A_375 = arith.index_cast %parallel_loop3A_261 : i32 to index
        %parallel_loop3A_376 = arith.index_cast %parallel_loop3A_265 : i32 to index
        %parallel_loop3A_377 = tpu.vector_load %arg11[%parallel_loop3A_375, %parallel_loop3A_376] {strides = array<i32>} : memref<32x128xf32, #tpu.memory_space<vmem>>, vector<1x16xf32>,
        %parallel_loop3A_378 = vector.shape_cast %parallel_loop3A_377 : vector<1x16xf32> to vector<16xf32>
        %parallel_loop3A_379 = vector.shape_cast %parallel_loop3A_374 : vector<16xf32> to vector<1x16xf32>
        tpu.vector_store %arg11[%parallel_loop3A_375, %parallel_loop3A_376], %parallel_loop3A_379 {strides = array<i32>} : memref<32x128xf32, #tpu.memory_space<vmem>>, vector<1x16xf32>,
      } {sc.loop_unroll_factor = 4 : i64, sc.parallel_access}
      %scan3A_258 = arith.constant 0 : i32
      scf.yield %scan3A_258 : i32
    }
    %scan3A_70 = arith.constant 2 : i32
    %mul3A_71 = arith.constant 32 : i32
    %mul3A_72 = arith.muli %add3A, %mul3A_71 : i32
    "tpu.region"() ({
      %run_scoped3A = tpu.sem_alloc : memref<!tpu.dma_semaphore, #tpu.memory_space<semaphore_mem>>
      %dma_start3A_73 = arith.constant 0 : i32
      %dma_start3A_74 = tpu.memref_slice %arg5[%mul3A_72, %dma_start3A_73] : memref<1024x128xf32, #tpu.memory_space<hbm>> -> memref<32x128xf32, #tpu.memory_space<hbm>>
      %dma_start3A_75 = arith.constant 0 : i32
      %dma_start3A_76 = tpu.memref_slice %arg5[%mul3A_72, %dma_start3A_75] : memref<1024x128xf32, #tpu.memory_space<hbm>> -> memref<32x128xf32, #tpu.memory_space<hbm>>
      tpu.enqueue_dma source(%arg10 : memref<32x128xf32, #tpu.memory_space<vmem>>) target(%dma_start3A_76 : memref<32x128xf32, #tpu.memory_space<hbm>>) target_semaphore(%run_scoped3A : memref<!tpu.dma_semaphore, #tpu.memory_space<semaphore_mem>>)
      %dma_wait3A = arith.constant 0 : i32
      %dma_wait3A_77 = tpu.memref_slice %arg5[%mul3A_72, %dma_wait3A] : memref<1024x128xf32, #tpu.memory_space<hbm>> -> memref<32x128xf32, #tpu.memory_space<hbm>>
      %dma_wait3A_78 = arith.constant 0 : i32
      %dma_wait3A_79 = tpu.memref_slice %arg5[%mul3A_72, %dma_wait3A_78] : memref<1024x128xf32, #tpu.memory_space<hbm>> -> memref<32x128xf32, #tpu.memory_space<hbm>>
      tpu.wait_dma2 semaphore(%run_scoped3A : memref<!tpu.dma_semaphore, #tpu.memory_space<semaphore_mem>>) src(%arg10 : memref<32x128xf32, #tpu.memory_space<vmem>>) dst(%dma_wait3A_79 : memref<32x128xf32, #tpu.memory_space<hbm>>)
      tpu.yield
    }) : () -> ()
    "tpu.region"() ({
      %run_scoped3A = tpu.sem_alloc : memref<!tpu.dma_semaphore, #tpu.memory_space<semaphore_mem>>
      %dma_start3A_73 = arith.constant 0 : i32
      %dma_start3A_74 = tpu.memref_slice %arg6[%mul3A_72, %dma_start3A_73] : memref<1024x128xf32, #tpu.memory_space<hbm>> -> memref<32x128xf32, #tpu.memory_space<hbm>>
      %dma_start3A_75 = arith.constant 0 : i32
      %dma_start3A_76 = tpu.memref_slice %arg6[%mul3A_72, %dma_start3A_75] : memref<1024x128xf32, #tpu.memory_space<hbm>> -> memref<32x128xf32, #tpu.memory_space<hbm>>
      tpu.enqueue_dma source(%arg11 : memref<32x128xf32, #tpu.memory_space<vmem>>) target(%dma_start3A_76 : memref<32x128xf32, #tpu.memory_space<hbm>>) target_semaphore(%run_scoped3A : memref<!tpu.dma_semaphore, #tpu.memory_space<semaphore_mem>>)
      %dma_wait3A = arith.constant 0 : i32
      %dma_wait3A_77 = tpu.memref_slice %arg6[%mul3A_72, %dma_wait3A] : memref<1024x128xf32, #tpu.memory_space<hbm>> -> memref<32x128xf32, #tpu.memory_space<hbm>>
      %dma_wait3A_78 = arith.constant 0 : i32
      %dma_wait3A_79 = tpu.memref_slice %arg6[%mul3A_72, %dma_wait3A_78] : memref<1024x128xf32, #tpu.memory_space<hbm>> -> memref<32x128xf32, #tpu.memory_space<hbm>>
      tpu.wait_dma2 semaphore(%run_scoped3A : memref<!tpu.dma_semaphore, #tpu.memory_space<semaphore_mem>>) src(%arg11 : memref<32x128xf32, #tpu.memory_space<vmem>>) dst(%dma_wait3A_79 : memref<32x128xf32, #tpu.memory_space<hbm>>)
      tpu.yield
    }) : () -> ()
    return
  }
}

</mosaic_0001>

<sc_bundles>
// kernel: cons_net_sc_reduce.3.cloned.1.call-start
scs
__scs_entry_jumppad:
0x0: {  	(pc) =	sbr.rel $0x88, $3  }
0x1: {  	(tag) =	ssettag $0x0;
	lr =	simm.s32 $0x1  }
0x2: {  	[smem:$0x3F9E] =	sst lr;
	_ =	strace $0xD0000000  }
0x3: {  	_ = 	snop  }
0x4: {  	_ = 	snop  }
0x5: {  	_ = 	snop  }
0x6: {  	_ = 	snop  }
0x7: {  	_ = 	snop  }
__scs_overlays_trampoline_lowered:
0x8: {  	[smem:$0x3FAD] =	sst s0  }
0x9: {  	[smem:$0x3FAE] =	sst s1  }
0xa: {  	[smem:$0x3FAF] =	sst s2  }
0xb: {  	[smem:$0x3FB0] =	sst s3  }
0xc: {  	[smem:$0x3FB1] =	sst s4  }
0xd: {  	[smem:$0x3FB2] =	sst s5  }
0xe: {  	[smem:$0x3FB3] =	sst s6  }
0xf: {  	[smem:$0x3FB4] =	sst s7  }
0x10: {  	[smem:$0x3FB5] =	sst s8  }
0x11: {  	[smem:$0x3FB6] =	sst s9;
	s0 =	simm.s32 @!p0 $0x0  }
0x12: {  	s1 =	sld [smem:$0x3F9C];
	s0 =	simm.s32 @p0 $0x1  }
0x13: {  	[smem:$0x3FB7] =	sst s0;
	s0 =	simm.s32 @!p1 $0x0  }
0x14: {  	s2 =	sld [smem:$0x3F9B];
	s0 =	simm.s32 @p1 $0x1  }
0x15: {  	[smem:$0x3FB8] =	sst s0;
	s0 =	simm.s32 @!p2 $0x0  }
0x16: {  	s3 =	sld [smem:$0x3FDB];
	s0 =	simm.s32 @p2 $0x1  }
0x17: {  	s4 =	simm.s32 $0x1BF5;
	[smem:$0x3FBA] =	sst s0  }
0x18: {  	s0 =	sld [smem:$0x3F9D];
	_ =	swait.ge [sflag:s4], $0x0  }
0x19: {  	s7 =	sld [smem:$0x3F9E]  }
0x1a: {  	s8 =	sadd.s32 $0xFFFFE003, lr  }
0x1b: {  	s9 =	sadd.s32 $0xFFFFFEF7, lr;
	s5 =	simm.s32 $0xFFFFFFFF;
	p2 =	slt.u32 s8, $0xFFFFF086  }
0x1c: {  	p1 =	slt.u32 s9, $0xF7A;
	s5 =	simm.s32 @!p2 $0x0  }
0x1d: {  	s5 =	simm.s32 @p1 $0x1;
	p0 =	seq.s32 s7, s2  }
0x1e: {  	s7 =	smul.u32 @!p0 $0xF7A, s2;
	p2 =	seq.s32 @!p0 s5, $0x0  }
0x1f: {  	s9 =	smul.u32 $0xF7A, s1;
	s8 =	simm.s32 @!p0 $0x1BF5;
	p2 =	por !p2, p0  }
0x20: {  	[sflag:s8] =	ssyncset.s32 @!p0 $0xFFFFF086;
	s6 =	sadd.s32 @!p0 s3, s7;
	s7 =	simm.s32 @!p0 $0x108  }
0x21: {  	s3 =	sadd.s32 s3, s9;
	s6 =	sadd.s32 @!p0 $0x88, s6;
	s7 =	simm.s32 @p2 $0x1082  }
0x22: {  	[simem:s7], [sflag:s8] =	dma.local @!p0 [hbm:s6], $0xF7A  }
0x23: {  	s9 =	sor.u32 $0xD0000000, s2;
	s6 =	simm.s32 $0x108;
	_ =	swait.ge @!p0 [sflag:s8], $0x0  }
0x24: {  	s3 =	sadd.s32 $0x88, s3;
	s6 =	simm.s32 @!p1 $0x1082;
	[sflag:s4] =	ssyncset.s32 $0xFFFFF086  }
0x25: {  	[simem:s6], [sflag:s4] =	dma.local [hbm:s3], $0xF7A  }
0x26: {  	[smem:$0x3F9E] =	sst s1;
	(tag) =	ssettag s2;
	_ =	strace s9  }
0x27: {  	s1 =	sld [smem:$0x3FAE]  }
0x28: {  	s2 =	sld [smem:$0x3FAF]  }
0x29: {  	s4 =	sld [smem:$0x3FB1]  }
0x2a: {  	p0 =	seq.s32 s5, $0x0;
	s5 =	sld [smem:$0x3FB2]  }
0x2b: {  	s6 =	sld [smem:$0x3FB3]  }
0x2c: {  	s7 =	sld [smem:$0x3FB4]  }
0x2d: {  	s3 =	simm.s32 $0x108;
	s8 =	sld [smem:$0x3FB5]  }
0x2e: {  	s3 =	simm.s32 @!p0 $0x1082;
	s9 =	sld [smem:$0x3FB6]  }
0x2f: {  	lr =	sadd.s32 s0, s3;
	s0 =	sld [smem:$0x3FAD]  }
0x30: {  	s3 =	sld [smem:$0x3FB0]  }
0x31: {  	[smem:$0x3FB9] =	sst s10  }
0x32: {  	s10 =	sld [smem:$0x3FB7];
	_ =	sdelay $0x3  }
0x33: {  	p0 =	seq.s32 s10, $0x1;
	s10 =	sld [smem:$0x3FB9];
	_ =	sdelay $0x3  }
0x34: {  	[smem:$0x3FB9] =	sst s10  }
0x35: {  	s10 =	sld [smem:$0x3FB8];
	_ =	sdelay $0x3  }
0x36: {  	p1 =	seq.s32 s10, $0x1;
	s10 =	sld [smem:$0x3FB9];
	_ =	sdelay $0x3  }
0x37: {  	[smem:$0x3FB9] =	sst s10  }
0x38: {  	s10 =	sld [smem:$0x3FBA]  }
0x39: {  	_ = 	snop;
	(pc) =	sbr.ind lr, $3  }
0x3a: {  	_ = 	snop  }
0x3b: {  	_ = 	snop  }
0x3c: {  	p2 =	seq.s32 s10, $0x1;
	s10 =	sld [smem:$0x3FB9]  }
0x3d: {  	_ =	shalt  }
0x3e: {  	_ =	shalt  }
0x3f: {  	_ =	shalt  }
0x40: {  	_ =	shalt  }
0x41: {  	_ =	shalt  }
0x42: {  	_ =	shalt  }
0x43: {  	_ =	shalt  }
0x44: {  	_ =	shalt  }
0x45: {  	_ =	shalt  }
0x46: {  	_ =	shalt  }
0x47: {  	_ =	shalt  }
0x48: {  	_ =	shalt  }
0x49: {  	_ =	shalt  }
0x4a: {  	_ =	shalt  }
0x4b: {  	_ =	shalt  }
0x4c: {  	_ =	shalt  }
0x4d: {  	_ =	shalt  }
0x4e: {  	_ =	shalt  }
0x4f: {  	_ =	shalt  }
0x50: {  	_ =	shalt  }
0x51: {  	_ =	shalt  }
0x52: {  	_ =	shalt  }
0x53: {  	_ =	shalt  }
0x54: {  	_ =	shalt  }
0x55: {  	_ =	shalt  }
0x56: {  	_ =	shalt  }
0x57: {  	_ =	shalt  }
0x58: {  	_ =	shalt  }
0x59: {  	_ =	shalt  }
0x5a: {  	_ =	shalt  }
0x5b: {  	_ =	shalt  }
0x5c: {  	_ =	shalt  }
0x5d: {  	_ =	shalt  }
0x5e: {  	_ =	shalt  }
0x5f: {  	_ =	shalt  }
0x60: {  	_ =	shalt  }
0x61: {  	_ =	shalt  }
0x62: {  	_ =	shalt  }
0x63: {  	_ =	shalt  }
0x64: {  	_ =	shalt  }
0x65: {  	_ =	shalt  }
0x66: {  	_ =	shalt  }
0x67: {  	_ =	shalt  }
0x68: {  	_ =	shalt  }
0x69: {  	_ =	shalt  }
0x6a: {  	_ =	shalt  }
0x6b: {  	_ =	shalt  }
0x6c: {  	_ =	shalt  }
0x6d: {  	_ =	shalt  }
0x6e: {  	_ =	shalt  }
0x6f: {  	_ =	shalt  }
0x70: {  	_ =	shalt  }
0x71: {  	_ =	shalt  }
0x72: {  	_ =	shalt  }
0x73: {  	_ =	shalt  }
0x74: {  	_ =	shalt  }
0x75: {  	_ =	shalt  }
0x76: {  	_ =	shalt  }
0x77: {  	_ =	shalt  }
0x78: {  	_ =	shalt  }
0x79: {  	_ =	shalt  }
0x7a: {  	_ =	shalt  }
0x7b: {  	_ =	shalt  }
0x7c: {  	_ =	shalt  }
0x7d: {  	_ =	shalt  }
0x7e: {  	_ =	shalt  }
0x7f: {  	_ =	shalt  }
0x80: {  	_ =	shalt  }
0x81: {  	_ =	shalt  }
0x82: {  	_ =	shalt  }
0x83: {  	_ =	shalt  }
0x84: {  	_ =	shalt  }
0x85: {  	_ =	shalt  }
0x86: {  	_ =	shalt  }
0x87: {  	_ =	shalt  }
.Lfunc_end0:
.L_simem_size_0:
called_computation_lowered:
.L_overlay_start_0:
0x88: {  	s2 =	sld [smem:$0x3FD9]  }
0x89: {  	s3 =	sld [smem:$0x3FFE];
	_ =	sdelay $0x1  }
0x8a: {  	s1 =	srdreg.scid  }
0x8b: {  	s0 =	sand.u32 $0x1, s1  }
0x8c: {  	s15 =	sshll.u32 s0, $0xA;
	s2 =	sadd.s32 s3, s2  }
0x8d: {  	s2 =	sadd.s32 s2, s15  }
0x8e: {  	[smem:$0x3FC5] =	sst s2  }
0x8f: {  	_ = 	snop  }
0x90: {  	s2 =	sld [smem:$0x3FD0]  }
0x91: {  	s16 =	sld [smem:$0x3FC9]  }
0x92: {  	s4 =	sld [smem:$0x3FC8]  }
0x93: {  	s6 =	simm.s32 $0xA;
	s7 =	simm.s32 $0x10;
	s5 =	sld [smem:$0x3FC7]  }
0x94: {  	[smem:s7], [sflag:s6] =	dma.local [hbm:s2], $0x1  }
0x95: {  	_ =	swait.eq [sflag:s6], $0x1  }
0x96: {  	[sflag:s6] =	ssyncset.done $0x0  }
0x97: {  	s17 =	sld [smem:$0x10];
	[sflag:s6] =	ssyncadd.s32 $0xFFFFFFFF  }
0x98: {  	s18 =	sld [smem:$0x11];
	(tm) =	ssettm $0x1  }
0x99: {  	s19 =	sld [smem:$0x3FFB];
	_ =	sdelay $0x3  }
0x9a: {  	_ =	strace s19  }
0x9b: {  	s7 =	sld [smem:$0x3FFC];
	_ =	sdelay $0x3  }
0x9c: {  	_ =	strace s7  }
0x9d: {  	s7 =	sld [smem:$0x3FFD];
	_ =	sdelay $0x3  }
0x9e: {  	_ =	strace s7  }
0x9f: {  	_ =	strace $0x8FFFFFFF  }
0xa0: {  	s20 =	sld [smem:$0x3FDB];
	_ =	sdelay $0x1  }
0xa1: {  	s8 =	simm.s32 $_scs_section_size  }
0xa2: {  	s9 =	simm.s32 $_size__tile_overlayer_lowered;
	s10 =	simm.s32 $_tile_overlayer_lowered  }
0xa3: {  	s23 =	simm.s32 $0x1BFF;
	s22 =	sshll.u32 s10, $0x1;
	s7 =	sadd.s32 s8, s20  }
0xa4: {  	s11 =	simm.s32 $0x0;
	s21 =	sshll.u32 s9, $0x1;
	s9 =	sadd.s32 s22, s7  }
0xa5: {  	[timem:s11], [sflag:s23] =	dma.local [hbm:s9], s21  }
0xa6: {  	_ =	swait.ge [sflag:s23], s21  }
0xa7: {  	s8 =	ssub.s32 $0x0, s21;
	[sflag:s23] =	ssyncset.done $0x0  }
0xa8: {  	[sflag:s23] =	ssyncadd.s32 s8;
	_ =	sdelay $0x1  }
0xa9: {  	s24 =	simm.s32 $0x1B8B  }
0xaa: {  	_ =	swait.ge [sflag:s24], $0x1  }
0xab: {  	[sflag:s24] =	ssyncset.done $0x0  }
0xac: {  	s25 =	simm.s32 $0x1B8E;
	[sflag:s24] =	ssyncadd.s32 $0xFFFFFFFF  }
0xad: {  	s26 =	simm.s32 $execute0_lowered;
	[smem:$0x3FD2] =	sst s25  }
0xae: {  	s8 =	sshll.u32 s26, $0x1;
	_ =	strace $0x80000046;
	[dreg:$0x1] =	wrdreg $0xFFFFFFFF  }
0xaf: {  	s28 =	simm.s32 $_size_execute0_lowered;
	s7 =	sadd.s32 s7, s8;
	[dreg:$0x0] =	wrdreg $0x0  }
0xb0: {  	s8 =	sshll.u32 s28, $0x1;
	[dreg:$0x2] =	wrdreg s7  }
0xb1: {  	[dreg:$0x3] =	wrdreg s8  }
0xb2: {  	[dreg:$0x4] =	wrdreg $0xC0  }
0xb3: {  	_ =	task [dreg:s11], $0x5FFFF  }
0xb4: {  	[dreg:$0x1] =	wrdreg $0xFFFFFFFF  }
0xb5: {  	[dreg:$0x0] =	wrdreg $0x60  }
0xb6: {  	[dreg:$0x2] =	wrdreg s16  }
0xb7: {  	[dreg:$0x3] =	wrdreg s4  }
0xb8: {  	[dreg:$0x4] =	wrdreg s5  }
0xb9: {  	[dreg:$0x5] =	wrdreg s17  }
0xba: {  	[dreg:$0x6] =	wrdreg s18  }
0xbb: {  	[dreg:$0x7] =	wrdreg $0x9  }
0xbc: {  	_ =	task.clear_ibuf [dreg:s11], $0x8FFFF;
	_ =	strace $0x90000046  }
0xbd: {  	s29 =	simm.s32 $0x9;
	_ =	strace $0x80000048  }
0xbe: {  	_ =	swait.ge [sflag:s29], $0x1  }
0xbf: {  	[sflag:s29] =	ssyncadd.s32 $0xFFFFFFFF  }
0xc0: {  	_ =	strace $0x90000048  }
0xc1: {  	_ =	sfence  }
0xc2: {  	s30 =	sld [smem:$0x0];
	_ =	sdelay $0x2  }
0xc3: {  	s31 =	sshll.u32 s1, $0xD;
	s1 =	sshrl.u32 s1, $0x2  }
0xc4: {  	s3 =	sand.u32 $0x4000, s31;
	s1 =	sadd.s32 s1, s30  }
0xc5: {  	s0 =	sor.u32 s3, s0;
	s1 =	sshll.u32 s1, $0x11  }
0xc6: {  	s0 =	sor.u32 s1, s0  }
0xc7: {  	s0 =	sadd.s32 $0x8F2B, s0  }
0xc8: {  	[sflag:s0] =	ssyncadd.remote.s32 $0x1  }
0xc9: {  	_ =	sfence.sel $0xFFFF  }
0xca: {  	[dreg:$0x0] =	wrdreg $0xFFFFFFFF;
	(pc) =	sbr.abs _section_cstart, $3  }
0xcb: {  	[dreg:$0x1] =	wrdreg $0xFFFFFFFF  }
0xcc: {  	_ =	task.clear_ibuf [dreg:s11], $0x2FFFF;
	_ =	strace $0x9FFFFFFF  }
0xcd: {  	(tm) =	ssettm $0x7FFFFFFF  }
tec
execute0_lowered:
.L_overlay_start_1:
0x0: {  	(tag) =	ssettag $0x1  }
0x1: {  	s10 =	rddreg [dreg:$0x0]  }
0x2: {  	s0 =	rddreg [dreg:$0x1]  }
0x3: {  	s1 =	rddreg [dreg:$0x2]  }
0x4: {  	s2 =	rddreg [dreg:$0x3]  }
0x5: {  	s3 =	rddreg [dreg:$0x4]  }
0x6: {  	s4 =	simm.s32 $0x0;
	s19 =	srdreg.scid;
	s7 =	stileid.u32  }
0x7: {  	[smem:$0x7FF] =	sst s4;
	s4 =	sand.u32 $0x1, s19;
	s6 =	sshll.u32 s7, $0x1  }
0x8: {  	s7 =	sshrl.u32 s7, $0x2;
	_ =	strace $0x80000047;
	s5 =	ssub.s32 $0x2, s4  }
0x9: {  	s4 =	sor.u32 s4, s6;
	s20 =	sor.u32 $0x1C, s7;
	s8 =	sshrl.u32 s5, $0x1  }
0xa: {  	s21 =	sand.u32 $0x7, s4;
	s22 =	sshll.u32 s20, $0x4;
	s6 =	sshll.u32 s20, $0x14  }
0xb: {  	s29 =	sshll.u32 s4, $0x9;
	s5 =	ssub.s32 s5, s8;
	s7 =	sshll.u32 s21, $0x5  }
0xc: {  	s8 =	sand.u32 $0x70, s22;
	s30 =	sadd.s32 s2, s29;
	[dreg:$0x11] =	wrdreg s7  }
0xd: {  	s23 =	sor.u32 $0x300, s8;
	[dreg:$0x17] =	wrdreg s30;
	s31 =	smax.u32 s5, $0x1  }
0xe: {  	s9 =	sshll.u32 s21, $0x11;
	s0 =	sadd.s32 s0, s23;
	[dreg:$0x19] =	wrdreg s31  }
0xf: {  	s6 =	sor.u32 s6, s9;
	s24 =	sadd.s32 s1, s23;
	[dreg:$0x12] =	wrdreg s0  }
0x10: {  	s25 =	sshrl.u32 s6, $0x3;
	s28 =	sor.u32 $0x8000, s6;
	[dreg:$0x13] =	wrdreg s24  }
0x11: {  	s26 =	sadd.s32 s10, s25;
	[dreg:$0x15] =	wrdreg s28  }
0x12: {  	s0 =	sadd.s32 s3, s29;
	[dreg:$0x14] =	wrdreg s26  }
0x13: {  	s1 =	sadd.s32 $0x2000, s26;
	[dreg:$0x18] =	wrdreg s0  }
0x14: {  	v0 =	vimm.f32 $0.0e+00;
	s4 =	simm.s32 $0x3;
	[dreg:$0x16] =	wrdreg s1;
	s1 =	simm.s32 $0x0  }
.LBB2_1:
0x15: {  	[dreg:$0x1a] =	wrdreg s1  }
0x16: {  	s0 =	rddreg [dreg:$0x12]  }
0x17: {  	s29 =	simm.s32 $0x80;
	s2 =	simm.s32 $0x400;
	s3 =	simm.s32 $0x10000  }
0x18: {  	[tilespmem:s3], [sflag:$0x3] =	stream.strided.gather [hbm4b:s0+s29], $0x100, s2, s29, $0x38;
	[tilespmem:$0x12200] =	vst v63  }
0x19: {  	_ =	swait.ge [sflag:s4], $0x100  }
0x1a: {  	[sflag:s4] =	ssyncset.done $0x0  }
0x1b: {  	s31 =	simm.s32 $0x10100;
	s30 =	rddreg [dreg:$0x13];
	[sflag:s4] =	ssyncadd.s32 $0xFFFFFF00  }
0x1c: {  	[tilespmem:s31], [sflag:$0x3] =	stream.strided.gather [hbm4b:s30+s29], $0x100, s2, s29, $0x38;
	[tilespmem:$0x12200] =	vst v63  }
0x1d: {  	_ =	swait.ge [sflag:s4], $0x100  }
0x1e: {  	[sflag:s4] =	ssyncset.done $0x0  }
0x1f: {  	s0 =	simm.s32 $0x10220;
	[sflag:s4] =	ssyncadd.s32 $0xFFFFFF00  }
0x20: {  	[tilespmem:s0+$0xFFFFFFF0] =	vst v0  }
0x21: {  	[tilespmem:s0+$0xFFFFFFE0] =	vst v0  }
0x22: {  	[tilespmem:s0+$0x0] =	vst v0  }
0x23: {  	s1 =	simm.s32 $0x11220;
	[tilespmem:s0+$0x10] =	vst v0  }
0x24: {  	[tilespmem:s1+$0xFFFFFFE0] =	vst v0  }
0x25: {  	[tilespmem:s1+$0x10] =	vst v0  }
0x26: {  	s2 =	simm.s32 $0x0;
	[tilespmem:s1+$0x0] =	vst v0  }
.LBB2_2:
0x27: {  	s2 =	sadd.s32 $0x4, s2;
	[tilespmem:s1+$0xFFFFFFF0] =	vst v0;
	s0 =	sadd.s32 $0x40, s0;
	s1 =	sadd.s32 $0x40, s1  }
0x28: {  	[tilespmem:s0+$0xFFFFFFF0] =	vst v0;
	p0 =	slt.u32 s2, $0xFC  }
0x29: {  	[tilespmem:s0+$0xFFFFFFE0] =	vst v0  }
.Ltmp0:
0x2a: {  	[tilespmem:s1+$0xFFFFFFE0] =	vst v0;
	(pc) =	sbr.rel @p0 .LBB2_2-.Ltmp0, $4  }
0x2b: {  	[tilespmem:s0+$0x0] =	vst v0  }
0x2c: {  	[tilespmem:s0+$0x10] =	vst v0  }
0x2d: {  	[tilespmem:s1+$0x10] =	vst v0  }
0x2e: {  	[tilespmem:s1+$0x0] =	vst v0  }
0x2f: {  	[tilespmem:s1+$0xFFFFFFF0] =	vst v0  }
0x30: {  	s31 =	simm.s32 $0x0;
	s0 =	rddreg [dreg:$0x14]  }
0x31: {  	[tilespmem:s31], [sflag:$0x1] =	stream.linear.gather [hbm4b:s0+s31], $0x8000, $0x38;
	[tilespmem:$0x12200] =	vst v63  }
0x32: {  	p1 =	por $0x1, $0x1;
	s0 =	simm.s32 $0x0  }
.LBB2_4:
0x33: {  	s2 =	rddreg [dreg:$0x11]  }
0x34: {  	s1 =	sshll.u32 s0, $0x4;
	s18 =	sshll.u32 s0, $0x10;
	s19 =	rddreg [dreg:$0x15]  }
0x35: {  	s1 =	sor.u32 s2, s1;
	s0 =	sor.u32 s19, s18  }
0x36: {  	s20 =	rddreg [dreg:$0x0];
	s21 =	simm.s32 $0x8000;
	v2 =	vld [tilespmem:s1+$0x10000];
	s0 =	sshrl.u32 s0, $0x3  }
0x37: {  	s22 =	simm.s32 $0x0;
	s23 =	simm.s32 $0x1;
	s0 =	sadd.s32 s20, s0  }
0x38: {  	v1 =	vld [tilespmem:s1+$0x10100];
	[tilespmem:s21], [sflag:$0x2] =	stream.linear.gather [hbm4b:s0+s22], $0x8000, $0x38  }
0x39: {  	_ =	swait.ge [sflag:s23], $0x8000  }
0x3a: {  	s1 =	sand.u32 $0xF80, s22;
	[sflag:s23] =	ssyncset.done $0x0  }
0x3b: {  	s6 =	sand.u32 $0x40, s22;
	s0 =	sor.u32 $0x5000, s1;
	[sflag:s23] =	ssyncadd.s32 $0xFFFF8000;
	v9 =	vbroadcast v2, $0x0  }
0x3c: {  	s9 =	sor.u32 $0x30, s6;
	s3 =	sor.u32 s6, s0;
	v10 =	vbroadcast v2, $0x1;
	v15 =	vbroadcast v2, $0x2;
	v19 =	vld [tilespmem:s22+$0x0]  }
0x3d: {  	s2 =	sor.u32 $0x4000, s1;
	s14 =	sor.u32 s1, s9;
	v8 =	vbroadcast v2, $0x3;
	v7 =	vbroadcast v2, $0x4;
	v20 =	vld [tilespmem:s3+$0x0]  }
0x3e: {  	s4 =	sor.u32 s9, s2;
	v5 =	vbroadcast v2, $0x5;
	v4 =	vbroadcast v2, $0x6;
	v21 =	vld [tilespmem:s14+$0x0]  }
0x3f: {  	s7 =	sor.u32 $0x3000, s1;
	s25 =	sor.u32 s9, s0;
	v11 =	vbroadcast v2, $0x7;
	v18 =	vbroadcast v1, $0x0;
	v22 =	vld [tilespmem:s4+$0x0]  }
0x40: {  	s8 =	sor.u32 $0x2000, s1;
	s10 =	sor.u32 s6, s7;
	v3 =	vbroadcast v1, $0x1;
	v17 =	vbroadcast v1, $0x2;
	v25 =	vld [tilespmem:s25+$0x0]  }
0x41: {  	s28 =	sor.u32 $0x1000, s1;
	s11 =	sor.u32 s6, s8;
	v12 =	vbroadcast v1, $0x3;
	v16 =	vbroadcast v1, $0x5;
	v26 =	vld [tilespmem:s10+$0x0]  }
0x42: {  	s30 =	sor.u32 $0x10, s6;
	s29 =	sor.u32 s6, s28;
	v13 =	vbroadcast v1, $0x4;
	v14 =	vbroadcast v1, $0x6;
	v29 =	vld [tilespmem:s11+$0x0]  }
0x43: {  	s21 =	sor.u32 s1, s30;
	v6 =	vbroadcast v1, $0x7;
	v32 =	vld [tilespmem:s29+$0x0];
	v28 =	vmul.f32 v20, v16  }
0x44: {  	s15 =	sor.u32 s30, s8;
	v39 =	vld [tilespmem:s21+$0x0];
	v20 =	vmul.f32 v20, v5;
	v30 =	vmul.f32 v19, v18  }
0x45: {  	s17 =	sor.u32 s30, s2;
	v40 =	vld [tilespmem:s15+$0x0];
	v31 =	vmul.f32 v19, v9;
	v33 =	vmul.f32 v22, v7  }
0x46: {  	s19 =	sor.u32 s30, s0;
	v47 =	vld [tilespmem:s17+$0x0];
	v34 =	vmul.f32 v25, v5;
	v35 =	vmul.f32 v26, v8  }
0x47: {  	s20 =	sor.u32 s9, s8;
	s3 =	sor.u32 $0x7000, s1;
	v51 =	vld [tilespmem:s19+$0x0];
	v45 =	vmul.f32 v21, v9;
	v43 =	vmul.f32 v21, v18  }
0x48: {  	v53 =	vld [tilespmem:s20+$0x0];
	s24 =	sor.u32 s9, s3;
	v46 =	vmul.f32 v29, v17;
	v41 =	vmul.f32 v22, v13  }
0x49: {  	s5 =	sor.u32 s6, s3;
	v23 =	vld [tilespmem:s24+$0x0];
	v29 =	vmul.f32 v29, v15;
	v44 =	vmul.f32 v25, v16  }
0x4a: {  	v24 =	vld [tilespmem:s5+$0x0];
	s5 =	sor.u32 $0x6000, s1;
	v48 =	vmul.f32 v32, v3;
	v50 =	vmul.f32 v39, v18  }
0x4b: {  	s26 =	sor.u32 s6, s5;
	v32 =	vmul.f32 v32, v10;
	v55 =	vmul.f32 v40, v15  }
0x4c: {  	s18 =	sor.u32 s9, s5;
	v27 =	vld [tilespmem:s26+$0x0];
	v57 =	vmul.f32 v47, v13;
	v25 =	vmul.f32 v39, v9  }
0x4d: {  	s12 =	sor.u32 s6, s2;
	v49 =	vld [tilespmem:s18+$0x0];
	v58 =	vmul.f32 v51, v5;
	v59 =	vmul.f32 v53, v17  }
0x4e: {  	s16 =	sor.u32 s30, s7;
	v19 =	vld [tilespmem:s12+$0x0];
	v26 =	vmul.f32 v26, v12;
	v53 =	vmul.f32 v53, v15  }
0x4f: {  	v21 =	vld [tilespmem:s16+$0x0];
	v36 =	vmul.f32 v24, v11;
	v42 =	vmul.f32 v23, v11  }
0x50: {  	s13 =	sor.u32 s30, s28;
	v63 =	vmul.f32 v23, v6;
	v24 =	vmul.f32 v24, v6  }
0x51: {  	v38 =	vld [tilespmem:s13+$0x0];
	s22 =	sor.u32 s9, s7;
	v56 =	vadd.f32 v34, v33;
	v37 =	vmul.f32 v27, v4;
	v27 =	vmul.f32 v27, v14  }
0x52: {  	v54 =	vld [tilespmem:s22+$0x0];
	s23 =	sor.u32 s30, s3;
	s6 =	sor.u32 $0x20, s6;
	v44 =	vadd.f32 v44, v41;
	v60 =	vmul.f32 v49, v14;
	v39 =	vmul.f32 v49, v4  }
0x53: {  	s24 =	sor.u32 s6, s5;
	v23 =	vld [tilespmem:s23+$0x0];
	v22 =	vmul.f32 v19, v7;
	v19 =	vmul.f32 v19, v13;
	v36 =	vadd.f32 v36, v37  }
0x54: {  	s9 =	sor.u32 s9, s28;
	v33 =	vld [tilespmem:s24+$0x0];
	v52 =	vmul.f32 v21, v8;
	v37 =	vadd.f32 v35, v29;
	v49 =	vadd.f32 v63, v60  }
0x55: {  	s25 =	sor.u32 s6, s28;
	v41 =	vmul.f32 v21, v12;
	v29 =	vld [tilespmem:s9+$0x0];
	v24 =	vadd.f32 v24, v27;
	v20 =	vadd.f32 v20, v22  }
0x56: {  	s28 =	sor.u32 s6, s8;
	s8 =	simm.s32 $0x10200;
	v34 =	vld [tilespmem:s25+$0x0];
	v63 =	vadd.f32 v26, v46;
	v19 =	vadd.f32 v28, v19;
	v28 =	vmul.f32 v38, v3  }
0x57: {  	s12 =	sor.u32 s1, s6;
	v21 =	vld [tilespmem:s8+$0x0];
	v22 =	vmul.f32 v38, v10;
	v49 =	vadd.f32 v49, v44;
	v20 =	vadd.f32 v36, v20  }
0x58: {  	v60 =	vld [tilespmem:s12+$0x0];
	v38 =	vmul.f32 v40, v17;
	v35 =	vadd.f32 v24, v19;
	v27 =	vadd.f32 v28, v50  }
0x59: {  	s26 =	sor.u32 s6, s7;
	v40 =	vmul.f32 v54, v12;
	v44 =	vld [tilespmem:s28+$0x0];
	v24 =	vadd.f32 v48, v30;
	v50 =	vadd.f32 v42, v39  }
0x5a: {  	s29 =	sor.u32 s6, s3;
	v36 =	vld [tilespmem:s26+$0x0];
	v48 =	vadd.f32 v32, v31;
	v31 =	vmul.f32 v51, v16;
	v19 =	vmul.f32 v29, v3  }
0x5b: {  	s0 =	sor.u32 s6, s0;
	v40 =	vadd.f32 v40, v59;
	v28 =	vmul.f32 v47, v7;
	v39 =	vld [tilespmem:s29+$0x0];
	v32 =	vadd.f32 v52, v55  }
0x5c: {  	v30 =	vmul.f32 v23, v11;
	v26 =	vadd.f32 v31, v57;
	v31 =	vld [tilespmem:s0+$0x0];
	v61 =	vadd.f32 v19, v43  }
0x5d: {  	s30 =	sor.u32 s30, s5;
	v52 =	vmul.f32 v54, v8;
	v62 =	vmul.f32 v29, v10;
	v29 =	vadd.f32 v58, v28;
	v19 =	vld [tilespmem:s12+$0x11200]  }
0x5e: {  	s31 =	simm.s32 $0x0;
	p0 =	por p1, p1;
	v28 =	vmul.f32 v60, v18;
	v50 =	vadd.f32 v50, v56;
	v43 =	vld [tilespmem:s30+$0x0];
	v42 =	vadd.f32 v40, v61  }
0x5f: {  	s15 =	simm.s32 $0x40;
	s17 =	simm.s32 $0x0;
	s2 =	sor.u32 s6, s2;
	v46 =	vmul.f32 v60, v9;
	v51 =	vadd.f32 v62, v45;
	v45 =	vadd.f32 v63, v24;
	v24 =	vld [tilespmem:s21+$0x11200]  }
0x60: {  	s5 =	simm.s32 $0x11200;
	s0 =	simm.s32 $0x10240;
	v47 =	vmul.f32 v44, v15;
	v40 =	vld [tilespmem:s2+$0x0];
	s2 =	simm.s32 $0x11240;
	v42 =	vadd.f32 v49, v42;
	v49 =	vmul.f32 v34, v10  }
.LBB2_5:
0x61: {  	v44 =	vmul.f32 v44, v17;
	v38 =	vadd.f32 v41, v38  }
0x62: {  	v60 =	vld [tilespmem:s14+$0x10200];
	v34 =	vmul.f32 v34, v3;
	v22 =	vadd.f32 v22, v25;
	v37 =	vadd.f32 v37, v48  }
0x63: {  	[dreg:$0xa] =	wrdreg s5;
	v58 =	vld [tilespmem:s12+$0x10200];
	v23 =	vmul.f32 v23, v6;
	v52 =	vadd.f32 v52, v53;
	v35 =	vadd.f32 v35, v45  }
0x64: {  	[dreg:$0x9] =	wrdreg s8;
	s1 =	sand.u32 $0xF80, s15;
	s17 =	sadd.s32 $0x40, s17;
	v59 =	vld [tilespmem:s21+$0x10200];
	v48 =	vmul.f32 v33, v4;
	v41 =	vadd.f32 v49, v46;
	v27 =	vadd.f32 v38, v27  }
0x65: {  	s9 =	sand.u32 $0x40, s15;
	s5 =	smov.u32 s21;
	v54 =	vld [tilespmem:s17+$0x0];
	s4 =	sor.u32 $0x5000, s1;
	v33 =	vmul.f32 v33, v14;
	v22 =	vadd.f32 v32, v22;
	v28 =	vadd.f32 v34, v28  }
0x66: {  	s21 =	smov.u32 s14;
	s3 =	sor.u32 $0x30, s9;
	s24 =	sor.u32 s9, s4;
	v51 =	vadd.f32 v52, v51;
	v52 =	vld [tilespmem:s14+$0x11200];
	v61 =	vmul.f32 v36, v8;
	v55 =	vmul.f32 v31, v16  }
0x67: {  	s8 =	sor.u32 $0x7000, s1;
	s26 =	sor.u32 $0x6000, s1;
	s18 =	sor.u32 s1, s3;
	v56 =	vld [tilespmem:s24+$0x0];
	v20 =	vadd.f32 v20, v37;
	v62 =	vmul.f32 v40, v7;
	v57 =	vmul.f32 v39, v11  }
0x68: {  	s6 =	sor.u32 $0x2000, s1;
	s7 =	sor.u32 $0x4000, s1;
	s28 =	sor.u32 s9, s26;
	v49 =	vld [tilespmem:s18+$0x0];
	v63 =	vmul.f32 v31, v5;
	v39 =	vmul.f32 v39, v6;
	v50 =	vadd.f32 v50, v51  }
0x69: {  	s11 =	sor.u32 $0x3000, s1;
	s19 =	sor.u32 $0x1000, s1;
	s10 =	sor.u32 s3, s7;
	v32 =	vld [tilespmem:s28+$0x0];
	v51 =	vmul.f32 v43, v4;
	v20 =	vadd.f32 v20, v21;
	v45 =	vadd.f32 v61, v47  }
0x6a: {  	s13 =	sor.u32 s9, s11;
	s20 =	sor.u32 s9, s7;
	s30 =	sor.u32 s9, s6;
	v48 =	vadd.f32 v57, v48;
	v46 =	vadd.f32 v63, v62;
	v61 =	vmul.f32 v36, v12;
	v62 =	vld [tilespmem:s10+$0x0]  }
0x6b: {  	s29 =	sor.u32 s9, s19;
	s16 =	sor.u32 s9, s8;
	s24 =	sor.u32 $0x20, s9;
	v63 =	vmul.f32 v40, v13;
	v36 =	vld [tilespmem:s13+$0x0];
	v33 =	vadd.f32 v39, v33;
	v50 =	vadd.f32 v50, v60  }
0x6c: {  	s23 =	sor.u32 s3, s4;
	s14 =	sor.u32 $0x10, s9;
	s25 =	sor.u32 s24, s19;
	v57 =	vld [tilespmem:s30+$0x0];
	v60 =	vmul.f32 v43, v14;
	v51 =	vadd.f32 v30, v51;
	v30 =	vmul.f32 v54, v18  }
0x6d: {  	s9 =	sor.u32 s3, s8;
	[dreg:$0x6] =	wrdreg s25;
	s25 =	sor.u32 s24, s26;
	v43 =	vmul.f32 v54, v9;
	v42 =	vadd.f32 v42, v52;
	v41 =	vadd.f32 v45, v41;
	v45 =	vld [tilespmem:s16+$0x0]  }
0x6e: {  	s22 =	sor.u32 s1, s24;
	[dreg:$0xc] =	wrdreg s25;
	s25 =	sor.u32 s3, s26;
	v25 =	vmul.f32 v56, v16;
	v44 =	vadd.f32 v61, v44;
	v21 =	vadd.f32 v48, v46;
	v46 =	vld [tilespmem:s20+$0x0]  }
0x6f: {  	s10 =	sor.u32 s14, s19;
	s26 =	sor.u32 s14, s26;
	[dreg:$0xe] =	wrdreg s25;
	v38 =	vmul.f32 v56, v5;
	v40 =	vadd.f32 v55, v63;
	v63 =	vld [tilespmem:s29+$0x0];
	v61 =	vmul.f32 v32, v4;
	[tilespmem:s21+$0x10200] =	vst v50  }
0x70: {  	s25 =	sor.u32 s14, s6;
	s16 =	sor.u32 s1, s14;
	v53 =	vmul.f32 v49, v9;
	v49 =	vmul.f32 v49, v18;
	v23 =	vadd.f32 v23, v60;
	v50 =	vld [tilespmem:s9+$0x0];
	s9 =	sor.u32 s14, s4  }
0x71: {  	s1 =	sor.u32 s14, s11;
	v52 =	vld [tilespmem:s25+$0x0];
	v32 =	vmul.f32 v32, v14;
	v29 =	vadd.f32 v51, v29;
	[tilespmem:s21+$0x11200] =	vst v42;
	s21 =	sor.u32 s14, s7;
	v21 =	vadd.f32 v21, v41;
	[dreg:$0xf] =	wrdreg s9  }
0x72: {  	s9 =	sor.u32 s14, s8;
	v42 =	vld [tilespmem:s23+$0x0];
	s14 =	smov.u32 s18;
	v39 =	vmul.f32 v62, v7;
	s18 =	rddreg [dreg:$0x9];
	v23 =	vadd.f32 v23, v26;
	v26 =	vadd.f32 v33, v40  }
0x73: {  	s13 =	sor.u32 s3, s19;
	s19 =	sor.u32 s3, s6;
	v51 =	vld [tilespmem:s10+$0x0];
	v40 =	vmul.f32 v36, v8;
	v55 =	vmul.f32 v57, v17;
	[tilespmem:s18+$0x0] =	vst v20;
	v20 =	vadd.f32 v29, v22  }
0x74: {  	s20 =	rddreg [dreg:$0xa];
	s7 =	sor.u32 s24, s7;
	s4 =	sor.u32 s24, s4;
	v41 =	vld [tilespmem:s16+$0x0];
	v21 =	vadd.f32 v21, v58;
	v60 =	vmul.f32 v45, v11;
	v23 =	vadd.f32 v23, v27  }
0x75: {  	s23 =	sor.u32 s3, s11;
	s3 =	sor.u32 s24, s6;
	[dreg:$0xb] =	wrdreg s9;
	v22 =	vld [tilespmem:s20+$0x0];
	v27 =	vmul.f32 v46, v7;
	v56 =	vmul.f32 v63, v3;
	v20 =	vadd.f32 v20, v59  }
0x76: {  	s11 =	sor.u32 s24, s11;
	s9 =	sor.u32 s24, s8;
	s24 =	rddreg [dreg:$0xe];
	v58 =	vld [tilespmem:s19+$0x0];
	v59 =	vmul.f32 v52, v15;
	v54 =	vmul.f32 v50, v11;
	v23 =	vadd.f32 v23, v24  }
0x77: {  	v24 =	vadd.f32 v38, v27;
	v27 =	vld [tilespmem:s24+$0x0];
	v38 =	vmul.f32 v52, v17;
	v29 =	vmul.f32 v42, v5;
	[tilespmem:s5+$0x10200] =	vst v20  }
0x78: {  	v20 =	vadd.f32 v44, v28;
	v44 =	vmul.f32 v62, v13;
	v42 =	vmul.f32 v42, v16;
	v28 =	vld [tilespmem:s1+$0x0]  }
0x79: {  	v62 =	vadd.f32 v60, v61;
	v48 =	vld [tilespmem:s21+$0x0];
	[tilespmem:s5+$0x11200] =	vst v23;
	v23 =	vmul.f32 v46, v13;
	v46 =	vmul.f32 v63, v10  }
0x7a: {  	v20 =	vadd.f32 v26, v20;
	v26 =	vmul.f32 v57, v15;
	v35 =	vadd.f32 v35, v22  }
0x7b: {  	v31 =	vld [tilespmem:s22+$0x0];
	v57 =	vmul.f32 v41, v18;
	v22 =	vmul.f32 v51, v10;
	v61 =	vadd.f32 v29, v39  }
0x7c: {  	s25 =	rddreg [dreg:$0xc];
	[tilespmem:s12+$0x10200] =	vst v21;
	v21 =	vld [tilespmem:s0+$0x0];
	v39 =	vmul.f32 v51, v3;
	v19 =	vadd.f32 v20, v19;
	v20 =	vadd.f32 v62, v24  }
0x7d: {  	v33 =	vld [tilespmem:s25+$0x0];
	[tilespmem:s20+$0x0] =	vst v35;
	v63 =	vmul.f32 v27, v14;
	v35 =	vadd.f32 v25, v23;
	v25 =	vmul.f32 v41, v9  }
0x7e: {  	v29 =	vld [tilespmem:s13+$0x0];
	v37 =	vadd.f32 v40, v26;
	v40 =	vmul.f32 v27, v4;
	v62 =	vmul.f32 v58, v17  }
0x7f: {  	s28 =	rddreg [dreg:$0xf];
	v60 =	vld [tilespmem:s23+$0x0];
	v27 =	vadd.f32 v39, v57;
	v57 =	vmul.f32 v36, v12;
	v47 =	vmul.f32 v28, v8  }
0x80: {  	s29 =	rddreg [dreg:$0xb];
	v56 =	vadd.f32 v56, v30;
	v24 =	vld [tilespmem:s28+$0x0];
	[tilespmem:s12+$0x11200] =	vst v19;
	v19 =	vmul.f32 v50, v6;
	v26 =	vmul.f32 v48, v13  }
0x81: {  	v42 =	vadd.f32 v42, v44;
	v23 =	vld [tilespmem:s29+$0x0];
	v50 =	vmul.f32 v45, v6;
	v41 =	vmul.f32 v28, v12  }
0x82: {  	v54 =	vadd.f32 v54, v40;
	v28 =	vmul.f32 v48, v7;
	v48 =	vadd.f32 v46, v43  }
0x83: {  	v45 =	vadd.f32 v57, v55;
	v46 =	vmul.f32 v31, v9;
	v43 =	vld [tilespmem:s26+$0x0];
	v51 =	vmul.f32 v29, v3  }
0x84: {  	v36 =	vld [tilespmem:s11+$0x0];
	v34 =	vadd.f32 v19, v63;
	v19 =	vadd.f32 v50, v32;
	v63 =	vmul.f32 v60, v12  }
0x85: {  	s31 =	sadd.s32 $0x4, s31;
	s30 =	rddreg [dreg:$0x6];
	v44 =	vld [tilespmem:s3+$0x0];
	v45 =	vadd.f32 v45, v56;
	v50 =	vadd.f32 v54, v61;
	v32 =	vmul.f32 v24, v5  }
0x86: {  	p1 =	slt.u32 s31, $0xFC;
	v30 =	vmul.f32 v23, v11;
	v49 =	vadd.f32 v51, v49;
	v42 =	vadd.f32 v34, v42;
	v34 =	vld [tilespmem:s30+$0x0]  }
.Ltmp1:
0x87: {  	v39 =	vld [tilespmem:s9+$0x0];
	v24 =	vmul.f32 v24, v16;
	v35 =	vadd.f32 v19, v35;
	v52 =	vadd.f32 v63, v62;
	(pc) =	sbr.rel @p1 .LBB2_5-.Ltmp1, $4  }
0x88: {  	s12 =	smov.u32 s22;
	v40 =	vld [tilespmem:s7+$0x0];
	v62 =	vmul.f32 v29, v10;
	v29 =	vadd.f32 v32, v28;
	v32 =	vadd.f32 v47, v59  }
0x89: {  	v19 =	vld [tilespmem:s12+$0x11200];
	v28 =	vmul.f32 v31, v18;
	v26 =	vadd.f32 v24, v26;
	v63 =	vadd.f32 v52, v49  }
0x8a: {  	s15 =	sadd.s32 $0x40, s15;
	s8 =	smov.u32 s0;
	s21 =	smov.u32 s16;
	v31 =	vld [tilespmem:s4+$0x0];
	v52 =	vmul.f32 v60, v8;
	v51 =	vadd.f32 v62, v53;
	v53 =	vmul.f32 v58, v15  }
0x8b: {  	s0 =	sadd.s32 $0x40, s0;
	s5 =	smov.u32 s2;
	s2 =	sadd.s32 $0x40, s2;
	v24 =	vld [tilespmem:s21+$0x11200];
	v47 =	vmul.f32 v44, v15;
	v42 =	vadd.f32 v42, v63;
	v49 =	vmul.f32 v34, v10  }
0x8c: {  	v9 =	vadd.f32 v52, v53  }
0x8d: {  	v10 =	vadd.f32 v37, v48;
	v15 =	vmul.f32 v33, v4;
	v17 =	vmul.f32 v44, v17  }
0x8e: {  	v44 =	vmul.f32 v33, v14;
	v8 =	vmul.f32 v36, v8;
	v38 =	vadd.f32 v41, v38  }
0x8f: {  	v11 =	vmul.f32 v39, v11;
	v4 =	vmul.f32 v43, v4;
	v49 =	vadd.f32 v49, v46  }
0x90: {  	v3 =	vmul.f32 v34, v3;
	v9 =	vadd.f32 v9, v51;
	v8 =	vadd.f32 v8, v47  }
0x91: {  	v48 =	vld [tilespmem:s14+$0x11200];
	v7 =	vmul.f32 v40, v7;
	v11 =	vadd.f32 v11, v15;
	v4 =	vadd.f32 v30, v4  }
0x92: {  	v18 =	vld [tilespmem:s14+$0x10200];
	v13 =	vmul.f32 v40, v13;
	v10 =	vadd.f32 v20, v10;
	v3 =	vadd.f32 v3, v28  }
0x93: {  	v5 =	vmul.f32 v31, v5;
	v9 =	vadd.f32 v50, v9;
	v8 =	vadd.f32 v8, v49  }
0x94: {  	v16 =	vmul.f32 v31, v16;
	v4 =	vadd.f32 v4, v29;
	v10 =	vadd.f32 v10, v21  }
0x95: {  	v5 =	vadd.f32 v5, v7;
	v7 =	vmul.f32 v36, v12;
	v12 =	vadd.f32 v22, v25  }
0x96: {  	v14 =	vmul.f32 v43, v14;
	v15 =	vadd.f32 v42, v48;
	v13 =	vadd.f32 v16, v13  }
0x97: {  	v9 =	vadd.f32 v9, v18;
	v18 =	vmul.f32 v23, v6;
	v7 =	vadd.f32 v7, v17  }
0x98: {  	v16 =	vld [tilespmem:s21+$0x10200];
	v6 =	vmul.f32 v39, v6;
	v17 =	vadd.f32 v38, v27;
	v12 =	vadd.f32 v32, v12  }
0x99: {  	v5 =	vadd.f32 v11, v5;
	v14 =	vadd.f32 v18, v14;
	v18 =	vld [tilespmem:s12+$0x10200]  }
0x9a: {  	v6 =	vadd.f32 v6, v44;
	v4 =	vadd.f32 v4, v12  }
0x9b: {  	[tilespmem:s8+$0x0] =	vst v10;
	v5 =	vadd.f32 v5, v8;
	v10 =	vadd.f32 v14, v26  }
0x9c: {  	v8 =	vld [tilespmem:s5+$0x0];
	v3 =	vadd.f32 v7, v3;
	v6 =	vadd.f32 v6, v13  }
0x9d: {  	[tilespmem:s14+$0x11200] =	vst v15;
	v4 =	vadd.f32 v4, v16;
	v7 =	vadd.f32 v10, v17  }
0x9e: {  	[tilespmem:s14+$0x10200] =	vst v9;
	v3 =	vadd.f32 v6, v3;
	v5 =	vadd.f32 v5, v18  }
0x9f: {  	v9 =	vadd.f32 v35, v45;
	[tilespmem:s21+$0x10200] =	vst v4;
	v4 =	vadd.f32 v7, v24  }
0xa0: {  	v3 =	vadd.f32 v3, v19;
	[tilespmem:s12+$0x10200] =	vst v5  }
0xa1: {  	v5 =	vadd.f32 v9, v8;
	[tilespmem:s21+$0x11200] =	vst v4  }
0xa2: {  	[tilespmem:s12+$0x11200] =	vst v3  }
0xa3: {  	s0 =	simm.s32 @p0 $0x0;
	[tilespmem:s5+$0x0] =	vst v5  }
0xa4: {  	s15 =	simm.s32 $0x0;
	s3 =	simm.s32 $0x2;
	s1 =	rddreg [dreg:$0x16]  }
0xa5: {  	[tilespmem:s0], [sflag:$0x1] =	stream.linear.gather @p0 [hbm4b:s1+s0], $0x8000, $0x38;
	[tilespmem:$0x12200] =	vst v63  }
0xa6: {  	s8 =	sand.u32 $0x40, s15;
	s0 =	sand.u32 $0xF80, s15;
	_ =	swait.ge [sflag:s3], $0x8000  }
0xa7: {  	s2 =	sor.u32 $0x20, s8;
	s7 =	sor.u32 $0xC000, s0;
	[sflag:s3] =	ssyncset.done $0x0  }
0xa8: {  	s6 =	sor.u32 $0xA000, s0;
	s16 =	sor.u32 s2, s7;
	[sflag:s3] =	ssyncadd.s32 $0xFFFF8000  }
0xa9: {  	v11 =	vbroadcast v2, $0xE;
	v15 =	vbroadcast v1, $0xD;
	s4 =	sor.u32 s8, s6;
	v17 =	vld [tilespmem:s16+$0x0]  }
0xaa: {  	v12 =	vbroadcast v2, $0xF;
	v13 =	vbroadcast v1, $0x8;
	s10 =	sor.u32 $0xF000, s0;
	s18 =	sor.u32 s8, s7;
	v18 =	vld [tilespmem:s4+$0x0]  }
0xab: {  	v14 =	vbroadcast v1, $0xC;
	v16 =	vbroadcast v1, $0xE;
	s5 =	sor.u32 $0xB000, s0;
	s19 =	sor.u32 s8, s10;
	v20 =	vld [tilespmem:s18+$0x0]  }
0xac: {  	v6 =	vbroadcast v2, $0xB;
	v10 =	vbroadcast v2, $0xD;
	s1 =	sor.u32 $0x8000, s0;
	s20 =	sor.u32 s8, s5;
	v21 =	vld [tilespmem:s19+$0x0]  }
0xad: {  	v7 =	vbroadcast v2, $0xA;
	v9 =	vbroadcast v1, $0xA;
	s9 =	sor.u32 $0xD000, s0;
	s21 =	sor.u32 s2, s1;
	v24 =	vld [tilespmem:s20+$0x0]  }
0xae: {  	v8 =	vbroadcast v1, $0xB;
	v4 =	vbroadcast v2, $0x8;
	s22 =	sor.u32 $0xE000, s0;
	s23 =	sor.u32 s8, s9;
	v23 =	vld [tilespmem:s21+$0x0]  }
0xaf: {  	v3 =	vbroadcast v2, $0x9;
	v5 =	vbroadcast v2, $0xC;
	s24 =	sor.u32 s8, s22;
	v25 =	vld [tilespmem:s23+$0x0]  }
0xb0: {  	v2 =	vbroadcast v1, $0x9;
	v1 =	vbroadcast v1, $0xF;
	s11 =	sor.u32 s2, s5;
	v28 =	vld [tilespmem:s24+$0x0]  }
0xb1: {  	s26 =	sor.u32 s8, s1;
	v22 =	vld [tilespmem:s11+$0x0];
	v26 =	vmul.f32 v20, v5;
	v27 =	vmul.f32 v17, v14  }
0xb2: {  	s14 =	sor.u32 s2, s22;
	s3 =	sor.u32 $0x9000, s0;
	v51 =	vld [tilespmem:s26+$0x0];
	v17 =	vmul.f32 v17, v5;
	v30 =	vmul.f32 v24, v6  }
0xb3: {  	s17 =	sor.u32 s8, s3;
	v53 =	vld [tilespmem:s14+$0x0];
	v31 =	vmul.f32 v21, v12;
	v57 =	vmul.f32 v18, v7  }
0xb4: {  	s25 =	sor.u32 s2, s3;
	v19 =	vld [tilespmem:s17+$0x0];
	v35 =	vmul.f32 v23, v4;
	v58 =	vmul.f32 v25, v10  }
0xb5: {  	v50 =	vld [tilespmem:s25+$0x0];
	v25 =	vmul.f32 v25, v15;
	v60 =	vmul.f32 v28, v11  }
0xb6: {  	s15 =	sor.u32 $0x10, s8;
	s29 =	sor.u32 s2, s9;
	s8 =	sor.u32 $0x30, s8;
	v61 =	vmul.f32 v22, v6;
	v63 =	vmul.f32 v22, v8  }
0xb7: {  	v59 =	vld [tilespmem:s29+$0x0];
	s23 =	sor.u32 s8, s3;
	v21 =	vmul.f32 v21, v1;
	v54 =	vmul.f32 v51, v4  }
0xb8: {  	v38 =	vld [tilespmem:s23+$0x0];
	v23 =	vmul.f32 v23, v13;
	v20 =	vmul.f32 v20, v14  }
0xb9: {  	s31 =	sor.u32 s2, s6;
	v18 =	vmul.f32 v18, v9;
	v46 =	vmul.f32 v53, v16  }
0xba: {  	s13 =	sor.u32 s2, s10;
	v62 =	vld [tilespmem:s31+$0x0];
	v29 =	vmul.f32 v19, v3;
	v32 =	vmul.f32 v50, v3  }
0xbb: {  	v52 =	vld [tilespmem:s13+$0x0];
	v19 =	vmul.f32 v19, v2;
	v22 =	vadd.f32 v58, v26;
	v26 =	vmul.f32 v28, v16  }
0xbc: {  	s16 =	sor.u32 s15, s22;
	v28 =	vmul.f32 v50, v2;
	v30 =	vadd.f32 v30, v57;
	v31 =	vadd.f32 v31, v60  }
0xbd: {  	s29 =	sor.u32 s15, s3;
	v56 =	vld [tilespmem:s16+$0x0];
	v20 =	vadd.f32 v25, v20;
	v25 =	vmul.f32 v59, v10;
	v47 =	vmul.f32 v38, v3  }
0xbe: {  	s11 =	sor.u32 s8, s22;
	v33 =	vld [tilespmem:s29+$0x0];
	v29 =	vadd.f32 v29, v54;
	v55 =	vadd.f32 v21, v26;
	v21 =	vmul.f32 v51, v13  }
0xbf: {  	s17 =	sor.u32 s8, s10;
	v58 =	vld [tilespmem:s11+$0x0];
	v57 =	vadd.f32 v28, v23;
	v23 =	vmul.f32 v62, v7;
	v31 =	vadd.f32 v31, v22  }
0xc0: {  	s19 =	sor.u32 s8, s7;
	v37 =	vld [tilespmem:s17+$0x0];
	v26 =	vmul.f32 v52, v12;
	v28 =	vmul.f32 v59, v15;
	v49 =	vadd.f32 v25, v17  }
0xc1: {  	s18 =	sor.u32 s8, s9;
	v60 =	vld [tilespmem:s19+$0x0];
	v17 =	vmul.f32 v24, v8;
	v24 =	vadd.f32 v32, v35;
	v22 =	vadd.f32 v61, v23  }
0xc2: {  	s9 =	sor.u32 s15, s9;
	v59 =	vld [tilespmem:s18+$0x0];
	v23 =	vadd.f32 v28, v27;
	v27 =	vmul.f32 v53, v11;
	v19 =	vadd.f32 v19, v21  }
0xc3: {  	s20 =	sor.u32 s15, s10;
	v25 =	vld [tilespmem:s9+$0x0];
	v61 =	vmul.f32 v62, v9;
	v17 =	vadd.f32 v17, v18;
	v21 =	vmul.f32 v56, v11  }
0xc4: {  	s21 =	sor.u32 s8, s1;
	v35 =	vld [tilespmem:s20+$0x0];
	v18 =	vadd.f32 v30, v29;
	v56 =	vmul.f32 v56, v16;
	v40 =	vmul.f32 v58, v11  }
0xc5: {  	s22 =	sor.u32 s8, s5;
	v62 =	vld [tilespmem:s21+$0x0];
	v30 =	vmul.f32 v58, v16;
	v58 =	vadd.f32 v55, v20;
	v50 =	vadd.f32 v26, v27  }
0xc6: {  	s26 =	simm.s32 $0x10200;
	v28 =	vld [tilespmem:s22+$0x0];
	v27 =	vadd.f32 v63, v61;
	v48 =	vadd.f32 v17, v19;
	v17 =	vmul.f32 v37, v1  }
0xc7: {  	s31 =	sor.u32 s15, s5;
	v29 =	vld [tilespmem:s26+$0x0];
	v18 =	vadd.f32 v31, v18;
	v61 =	vmul.f32 v37, v12;
	v63 =	vmul.f32 v59, v15  }
0xc8: {  	s7 =	sor.u32 s15, s7;
	v34 =	vld [tilespmem:s31+$0x0];
	v20 =	vmul.f32 v59, v10;
	v44 =	vmul.f32 v25, v15;
	v19 =	vadd.f32 v27, v57  }
0xc9: {  	s24 =	sor.u32 s8, s6;
	v26 =	vld [tilespmem:s7+$0x0];
	v27 =	vmul.f32 v52, v1;
	v57 =	vmul.f32 v60, v5;
	v59 =	vadd.f32 v17, v30  }
0xca: {  	s1 =	sor.u32 s15, s1;
	v39 =	vld [tilespmem:s24+$0x0];
	v30 =	vmul.f32 v35, v12;
	v37 =	vadd.f32 v58, v48;
	v43 =	vmul.f32 v62, v4  }
0xcb: {  	s25 =	sor.u32 s15, s6;
	v36 =	vld [tilespmem:s1+$0x0];
	v31 =	vmul.f32 v28, v6;
	v42 =	vadd.f32 v27, v46;
	v27 =	vmul.f32 v60, v14  }
0xcc: {  	s28 =	sor.u32 s0, s15;
	v41 =	vld [tilespmem:s25+$0x0];
	v60 =	vadd.f32 v18, v29;
	v29 =	vmul.f32 v62, v13;
	v32 =	vadd.f32 v20, v57  }
0xcd: {  	v17 =	vld [tilespmem:s28+$0x11200];
	v46 =	vadd.f32 v50, v49;
	v62 =	vadd.f32 v63, v27;
	v63 =	vmul.f32 v35, v1  }
0xce: {  	s30 =	simm.s32 $0x0;
	s16 =	sor.u32 s0, s8;
	s17 =	sor.u32 s0, s2;
	v18 =	vld [tilespmem:s28+$0x10200];
	v48 =	vmul.f32 v26, v14;
	v27 =	vmul.f32 v25, v10;
	v35 =	vadd.f32 v61, v40  }
0xcf: {  	s0 =	simm.s32 $0x11240;
	s2 =	simm.s32 $0x40;
	s22 =	simm.s32 $0x11200;
	v20 =	vld [tilespmem:s17+$0x10200];
	v40 =	vmul.f32 v39, v7;
	[tilespmem:s26+$0x0] =	vst v60;
	v25 =	vadd.f32 v59, v62;
	v45 =	vadd.f32 v63, v56  }
.LBB2_7:
0xd0: {  	v38 =	vmul.f32 v38, v2;
	v24 =	vadd.f32 v22, v24;
	v30 =	vadd.f32 v30, v21  }
0xd1: {  	v61 =	vld [tilespmem:s17+$0x11200];
	v39 =	vmul.f32 v39, v9;
	v44 =	vadd.f32 v44, v48;
	v23 =	vadd.f32 v42, v23  }
0xd2: {  	s15 =	sand.u32 $0xF80, s2;
	s7 =	sand.u32 $0x40, s2;
	v22 =	vld [tilespmem:s16+$0x10200];
	v28 =	vmul.f32 v28, v8;
	v43 =	vadd.f32 v47, v43;
	v31 =	vadd.f32 v31, v40  }
0xd3: {  	v50 =	vld [tilespmem:s22+$0x0];
	s12 =	sor.u32 $0xC000, s15;
	s31 =	sor.u32 $0x20, s7;
	v32 =	vadd.f32 v35, v32;
	v24 =	vadd.f32 v46, v24  }
0xd4: {  	v26 =	vmul.f32 v26, v5;
	v47 =	vld [tilespmem:s16+$0x11200];
	s10 =	sor.u32 $0xA000, s15;
	s3 =	sor.u32 s31, s12;
	v28 =	vadd.f32 v28, v39;
	v29 =	vadd.f32 v38, v29  }
0xd5: {  	s6 =	sor.u32 $0x9000, s15;
	s4 =	sor.u32 s7, s10;
	v57 =	vld [tilespmem:s3+$0x0];
	v44 =	vadd.f32 v45, v44;
	v19 =	vadd.f32 v23, v19  }
0xd6: {  	s24 =	sor.u32 s7, s6;
	v45 =	vld [tilespmem:s4+$0x0];
	v23 =	vadd.f32 v27, v26;
	v49 =	vmul.f32 v36, v13;
	v62 =	vmul.f32 v41, v9  }
0xd7: {  	s11 =	sor.u32 $0xF000, s15;
	s1 =	sor.u32 s7, s12;
	v21 =	vld [tilespmem:s24+$0x0];
	v31 =	vadd.f32 v31, v43;
	v63 =	vmul.f32 v36, v4;
	v56 =	vmul.f32 v41, v7  }
0xd8: {  	[dreg:$0xd] =	wrdreg s16;
	s16 =	sor.u32 $0xB000, s15;
	s25 =	sor.u32 s7, s11;
	v38 =	vld [tilespmem:s1+$0x0];
	v51 =	vmul.f32 v34, v6;
	v52 =	vmul.f32 v33, v3;
	v27 =	vadd.f32 v28, v29  }
0xd9: {  	s5 =	sor.u32 s7, s16;
	v35 =	vld [tilespmem:s25+$0x0];
	v59 =	vmul.f32 v33, v2;
	v20 =	vadd.f32 v24, v20;
	v37 =	vadd.f32 v37, v50  }
0xda: {  	s18 =	sor.u32 $0x8000, s15;
	s9 =	sor.u32 s31, s16;
	v40 =	vld [tilespmem:s5+$0x0];
	v26 =	vmul.f32 v34, v8;
	v19 =	vadd.f32 v19, v61;
	v23 =	vadd.f32 v30, v23  }
0xdb: {  	s23 =	sor.u32 $0xD000, s15;
	s14 =	sor.u32 s31, s18;
	s5 =	smov.u32 s22;
	v28 =	vld [tilespmem:s9+$0x0];
	v58 =	vadd.f32 v51, v56;
	v29 =	vadd.f32 v59, v49  }
0xdc: {  	s8 =	sor.u32 $0xE000, s15;
	s22 =	sor.u32 s7, s23;
	v33 =	vld [tilespmem:s14+$0x0];
	v60 =	vadd.f32 v52, v63;
	v26 =	vadd.f32 v26, v62;
	[tilespmem:s5+$0x0] =	vst v37  }
0xdd: {  	s24 =	sor.u32 s7, s8;
	[tilespmem:s17+$0x11200] =	vst v19;
	v19 =	vadd.f32 v25, v27;
	v61 =	vld [tilespmem:s22+$0x0];
	v62 =	vmul.f32 v38, v5;
	v41 =	vmul.f32 v57, v14  }
0xde: {  	s29 =	sor.u32 s31, s10;
	s13 =	sor.u32 s31, s6;
	v25 =	vld [tilespmem:s24+$0x0];
	v27 =	vmul.f32 v21, v3;
	v63 =	vmul.f32 v57, v5;
	v34 =	vadd.f32 v58, v60  }
0xdf: {  	[dreg:$0x10] =	wrdreg s29;
	s29 =	sor.u32 s31, s8;
	v52 =	vmul.f32 v40, v6;
	v53 =	vmul.f32 v35, v12;
	v55 =	vld [tilespmem:s13+$0x0];
	v26 =	vadd.f32 v26, v29  }
0xe0: {  	s20 =	sor.u32 s7, s18;
	v54 =	vmul.f32 v45, v7;
	v58 =	vld [tilespmem:s29+$0x0];
	v45 =	vmul.f32 v45, v9;
	v23 =	vadd.f32 v23, v34  }
0xe1: {  	v30 =	vld [tilespmem:s20+$0x0];
	v19 =	vadd.f32 v19, v47;
	v57 =	vmul.f32 v33, v4;
	v26 =	vadd.f32 v44, v26  }
0xe2: {  	s25 =	sor.u32 s31, s23;
	s20 =	rddreg [dreg:$0xd];
	v59 =	vmul.f32 v28, v6;
	v28 =	vmul.f32 v28, v8;
	v18 =	vadd.f32 v23, v18  }
0xe3: {  	v56 =	vld [tilespmem:s25+$0x0];
	[tilespmem:s17+$0x10200] =	vst v20;
	s29 =	rddreg [dreg:$0x10];
	v23 =	vmul.f32 v35, v1;
	v17 =	vadd.f32 v26, v17;
	v24 =	vmul.f32 v61, v10  }
0xe4: {  	s21 =	sor.u32 $0x10, s7;
	s9 =	sor.u32 s31, s11;
	v60 =	vld [tilespmem:s29+$0x0];
	[tilespmem:s20+$0x11200] =	vst v19;
	v29 =	vmul.f32 v61, v15;
	v19 =	vmul.f32 v25, v11;
	v61 =	vadd.f32 v52, v54  }
0xe5: {  	s19 =	sor.u32 s21, s8;
	v52 =	vld [tilespmem:s9+$0x0];
	v26 =	vmul.f32 v55, v2;
	v36 =	vmul.f32 v58, v11;
	v20 =	vadd.f32 v24, v62  }
0xe6: {  	v24 =	vmul.f32 v25, v16;
	v25 =	vld [tilespmem:s19+$0x0];
	[tilespmem:s28+$0x10200] =	vst v18;
	v18 =	vadd.f32 v32, v31;
	v31 =	vmul.f32 v30, v4  }
0xe7: {  	v19 =	vadd.f32 v53, v19;
	v53 =	vmul.f32 v33, v13;
	[tilespmem:s28+$0x11200] =	vst v17;
	v17 =	vmul.f32 v38, v14  }
0xe8: {  	s26 =	sadd.s32 $0x40, s26;
	s13 =	sor.u32 $0x30, s7;
	v30 =	vmul.f32 v30, v13;
	v32 =	vmul.f32 v58, v16;
	v54 =	vadd.f32 v23, v24  }
0xe9: {  	s7 =	sor.u32 s13, s8;
	v34 =	vld [tilespmem:s26+$0x0];
	v18 =	vadd.f32 v18, v22;
	v29 =	vadd.f32 v29, v17;
	v17 =	vmul.f32 v60, v7  }
0xea: {  	s1 =	sor.u32 s21, s23;
	v62 =	vld [tilespmem:s7+$0x0];
	v26 =	vadd.f32 v26, v53;
	v23 =	vmul.f32 v56, v10;
	v24 =	vmul.f32 v55, v3  }
0xeb: {  	s17 =	sor.u32 s13, s11;
	v27 =	vadd.f32 v27, v31;
	v31 =	vld [tilespmem:s1+$0x0];
	v35 =	vmul.f32 v52, v1;
	[tilespmem:s20+$0x10200] =	vst v18;
	v18 =	vadd.f32 v19, v20  }
0xec: {  	s3 =	sor.u32 s21, s12;
	s12 =	sor.u32 s13, s12;
	v19 =	vmul.f32 v52, v12;
	v20 =	vmul.f32 v56, v15;
	v22 =	vadd.f32 v59, v17;
	v46 =	vld [tilespmem:s17+$0x0]  }
0xed: {  	s5 =	sor.u32 s21, s18;
	s18 =	sor.u32 s13, s18;
	v17 =	vmul.f32 v21, v2;
	v47 =	vadd.f32 v23, v63;
	v24 =	vadd.f32 v24, v57;
	v63 =	vld [tilespmem:s12+$0x0]  }
0xee: {  	s14 =	sor.u32 s21, s6;
	s6 =	sor.u32 s13, s6;
	v21 =	vmul.f32 v40, v8;
	v27 =	vadd.f32 v61, v27;
	v33 =	vadd.f32 v54, v29;
	v57 =	vld [tilespmem:s18+$0x0]  }
0xef: {  	s24 =	sor.u32 s13, s10;
	v58 =	vmul.f32 v62, v11;
	v61 =	vmul.f32 v25, v16;
	v38 =	vld [tilespmem:s6+$0x0];
	v42 =	vadd.f32 v35, v32  }
0xf0: {  	s9 =	sor.u32 s13, s23;
	v39 =	vld [tilespmem:s24+$0x0];
	v23 =	vadd.f32 v20, v41;
	v17 =	vadd.f32 v17, v30;
	v30 =	vmul.f32 v60, v9  }
0xf1: {  	s4 =	sor.u32 s21, s11;
	v20 =	vld [tilespmem:s9+$0x0];
	v55 =	vadd.f32 v21, v45;
	v21 =	vmul.f32 v25, v11;
	v18 =	vadd.f32 v18, v27  }
0xf2: {  	v45 =	vld [tilespmem:s4+$0x0];
	v56 =	vadd.f32 v19, v36;
	v60 =	vmul.f32 v62, v16;
	v44 =	vmul.f32 v31, v15  }
0xf3: {  	[dreg:$0x8] =	wrdreg s3;
	s3 =	sor.u32 s21, s10;
	v36 =	vld [tilespmem:s5+$0x0];
	v19 =	vadd.f32 v28, v30;
	v27 =	vadd.f32 v18, v34;
	v30 =	vmul.f32 v46, v1  }
0xf4: {  	s19 =	sor.u32 s13, s16;
	v41 =	vld [tilespmem:s3+$0x0];
	v37 =	vadd.f32 v55, v17;
	v25 =	vmul.f32 v63, v5;
	v29 =	vmul.f32 v57, v13  }
0xf5: {  	s30 =	sadd.s32 $0x4, s30;
	s29 =	rddreg [dreg:$0x8];
	v28 =	vld [tilespmem:s19+$0x0];
	v19 =	vadd.f32 v19, v26;
	v43 =	vmul.f32 v57, v4;
	[tilespmem:s26+$0x0] =	vst v27;
	v27 =	vmul.f32 v31, v10  }
0xf6: {  	p1 =	slt.u32 s30, $0xFC;
	s22 =	sor.u32 s21, s16;
	s28 =	sor.u32 s15, s21;
	v26 =	vld [tilespmem:s29+$0x0];
	v37 =	vadd.f32 v33, v37;
	v59 =	vmul.f32 v20, v15;
	v62 =	vmul.f32 v20, v10  }
.Ltmp2:
0xf7: {  	[dreg:$0x7] =	wrdreg s22;
	v17 =	vld [tilespmem:s28+$0x11200];
	v20 =	vmul.f32 v63, v14;
	v63 =	vmul.f32 v46, v12;
	v46 =	vadd.f32 v56, v47;
	(pc) =	sbr.rel @p1 .LBB2_7-.Ltmp2, $4  }
0xf8: {  	s17 =	sor.u32 s15, s31;
	s31 =	rddreg [dreg:$0x7];
	v18 =	vld [tilespmem:s28+$0x10200];
	v53 =	vadd.f32 v30, v60;
	v30 =	vmul.f32 v45, v12;
	v45 =	vmul.f32 v45, v1  }
0xf9: {  	v34 =	vld [tilespmem:s31+$0x0];
	v47 =	vmul.f32 v38, v3;
	v40 =	vadd.f32 v59, v20;
	v32 =	vadd.f32 v62, v25  }
0xfa: {  	s2 =	sadd.s32 $0x40, s2;
	s25 =	sor.u32 s15, s13;
	v33 =	vld [tilespmem:s14+$0x0];
	v31 =	vmul.f32 v28, v6;
	v35 =	vadd.f32 v63, v58;
	v45 =	vadd.f32 v45, v61  }
0xfb: {  	s22 =	smov.u32 s0;
	s0 =	sadd.s32 $0x40, s0;
	s16 =	smov.u32 s25;
	v20 =	vld [tilespmem:s17+$0x10200];
	v25 =	vadd.f32 v53, v40;
	v48 =	vmul.f32 v26, v14;
	v40 =	vmul.f32 v39, v7  }
0xfc: {  	v1 =	vmul.f32 v36, v13;
	v11 =	vmul.f32 v38, v2  }
0xfd: {  	v12 =	vadd.f32 v22, v24;
	v52 =	vadd.f32 v42, v23;
	v14 =	vmul.f32 v39, v9  }
0xfe: {  	v15 =	vadd.f32 v47, v43;
	v16 =	vmul.f32 v28, v8;
	v7 =	vmul.f32 v41, v7  }
0xff: {  	v54 =	vmul.f32 v41, v9;
	v21 =	vadd.f32 v30, v21;
	v58 =	vadd.f32 v35, v32  }
0x100: {  	v4 =	vmul.f32 v36, v4;
	v10 =	vadd.f32 v44, v48;
	v57 =	vadd.f32 v31, v40  }
0x101: {  	v53 =	vld [tilespmem:s22+$0x0];
	v5 =	vmul.f32 v26, v5;
	v12 =	vadd.f32 v46, v12;
	v14 =	vadd.f32 v16, v14  }
0x102: {  	v6 =	vmul.f32 v34, v6;
	v56 =	vadd.f32 v11, v29;
	v13 =	vadd.f32 v52, v19  }
0x103: {  	v55 =	vld [tilespmem:s17+$0x11200];
	v5 =	vadd.f32 v27, v5;
	v60 =	vmul.f32 v34, v8;
	v10 =	vadd.f32 v45, v10  }
0x104: {  	v2 =	vmul.f32 v33, v2;
	v63 =	vadd.f32 v57, v15;
	v6 =	vadd.f32 v6, v7  }
0x105: {  	v3 =	vmul.f32 v33, v3;
	v7 =	vadd.f32 v14, v56;
	v61 =	vadd.f32 v60, v54  }
0x106: {  	v59 =	vld [tilespmem:s16+$0x11200];
	v5 =	vadd.f32 v21, v5;
	v22 =	vadd.f32 v37, v53  }
0x107: {  	v62 =	vld [tilespmem:s16+$0x10200];
	v1 =	vadd.f32 v2, v1;
	v3 =	vadd.f32 v3, v4  }
0x108: {  	v2 =	vadd.f32 v13, v55;
	v4 =	vadd.f32 v58, v63  }
0x109: {  	v7 =	vadd.f32 v25, v7;
	v3 =	vadd.f32 v6, v3  }
0x10a: {  	v1 =	vadd.f32 v61, v1;
	[tilespmem:s17+$0x11200] =	vst v2;
	v2 =	vadd.f32 v12, v20  }
0x10b: {  	[tilespmem:s22+$0x0] =	vst v22;
	v7 =	vadd.f32 v7, v59;
	v3 =	vadd.f32 v5, v3  }
.Ltmp3:
0x10c: {  	v1 =	vadd.f32 v10, v1;
	[tilespmem:s17+$0x10200] =	vst v2;
	v2 =	vadd.f32 v4, v62;
	(pc) =	sbr.rel @p0 .LBB2_4-.Ltmp3, $4  }
0x10d: {  	[tilespmem:s16+$0x11200] =	vst v7;
	v3 =	vadd.f32 v3, v18  }
0x10e: {  	v1 =	vadd.f32 v1, v17;
	[tilespmem:s16+$0x10200] =	vst v2  }
0x10f: {  	[tilespmem:s28+$0x10200] =	vst v3  }
0x110: {  	s0 =	simm.s32 $0x1;
	p1 =	por $0x0, $0x0;
	[tilespmem:s28+$0x11200] =	vst v1  }
0x111: {  	s0 =	simm.s32 $0x0  }
0x112: {  	s1 =	rddreg [dreg:$0x17];
	s2 =	simm.s32 $0x10200;
	s4 =	simm.s32 $0x3  }
0x113: {  	[hbm4b:s1+s0] =	stream.linear.scatter [tilespmem:s2], [sflag:$0x3], $0x1000, $0x38;
	[tilespmem:$0x12200] =	vst v63  }
0x114: {  	_ =	swait.ge [sflag:s4], $0x1000  }
0x115: {  	[sflag:s4] =	ssyncset.done $0x0  }
0x116: {  	s29 =	simm.s32 $0x11200;
	s28 =	rddreg [dreg:$0x18];
	[sflag:s4] =	ssyncadd.s32 $0xFFFFF000  }
0x117: {  	[hbm4b:s28+s0] =	stream.linear.scatter [tilespmem:s29], [sflag:$0x3], $0x1000, $0x38;
	[tilespmem:$0x12200] =	vst v63  }
0x118: {  	_ =	swait.ge [sflag:s4], $0x1000  }
0x119: {  	s30 =	rddreg [dreg:$0x1a]  }
0x11a: {  	s31 =	rddreg [dreg:$0x19];
	s1 =	sadd.s32 $0x1, s30  }
0x11b: {  	p0 =	sne.s32 s1, s31  }
.Ltmp4:
0x11c: {  	_ = 	snop;
	(pc) =	sbr.rel @p0 .LBB2_1-.Ltmp4, $3  }
0x11d: {  	_ =	sdelay $0x1  }
0x11e: {  	[sflag:s4] =	ssyncset.done $0x0  }
0x11f: {  	[sflag:s4] =	ssyncadd.s32 $0xFFFFF000  }
0x120: {  	_ =	sfence.sel $0x180000  }
0x121: {  	[bflag:$0x0] =	sbarrier.arrive $0xFFFF  }
0x122: {  	_ =	strace $0x90000047  }
0x123: {  	s0 =	stileid.u32;
	[bflag:$0x2] =	sbarrier.arrive $0xFFFF  }
0x124: {  	p0 =	sne.s32 s0, $0x0;
	s0 =	rddreg [dreg:$0x5]  }
0x125: {  	s0 =	sadd.s32 @!p0 $0x100000, s0  }
0x126: {  	[sflag:s0] =	ssyncadd.tile.s32 @!p0 $0x1;
	_ =	shalt  }
.Lfunc_end2:
_tile_overlayer_lowered:
.L_overlay_start_2:
0x127: {  	(tag) =	ssettag $0x2  }
0x128: {  	s0 =	rddreg [dreg:$0x0];
	s2 =	stileid.u32  }
0x129: {  	s1 =	rddreg [dreg:$0x1];
	p0 =	sne.s32 s2, $0x0  }
0x12a: {  	s3 =	rddreg [dreg:$0x2];
	[bflag:$0x3] =	sbarrier.arrive $0xFFFF;
	s2 =	simm.s32 @!p0 $0x1C03  }
0x12b: {  	[timem:s3], [sflag:s2] =	dma.local @!p0 [hbm:s0], s1  }
0x12c: {  	s0 =	simm.s32 @!p0 $0x3  }
0x12d: {  	_ =	swait.ge @!p0 [sflag:s0], s1  }
0x12e: {  	s1 =	ssub.s32 @!p0 $0x0, s1;
	[sflag:s0] =	ssyncset.done @!p0 $0x0  }
0x12f: {  	[sflag:s0] =	ssyncadd.s32 @!p0 s1  }
0x130: {  	[bflag:$0x3] =	sbarrier.arrive $0xFFFF  }
0x131: {  	_ =	shalt  }

</sc_bundles>
